<compile_context>
chip_gen: v7x
topology: tpu7x:2x2x1
jax: 0.10.2.dev20260603
libtpu: 0.0.44.dev20260713+nightly
codegen_flags: <defaults>
</compile_context>

<pallas_src>
import functools

import jax
import jax.numpy as jnp
from jax import lax
from jax.experimental.layout import Layout, with_layout_constraint
from jax.experimental import pallas as pl
from jax.experimental.pallas import tpu as pltpu
from jax.experimental.pallas import tpu_sc as plsc

USER_N = 1000000
ITEM_N = 100000
BATCH = 16384
DIM = 16
NUM_CORES = 2
NUM_SUBCORES = 16
NUM_WORKERS = NUM_CORES * NUM_SUBCORES
BPW = BATCH // NUM_WORKERS
LANES = 16
GROUPS = BPW // LANES

USER_ROW_STRIDE = -(-USER_N // 128) * 1024
ITEM_ROW_STRIDE = -(-ITEM_N // 128) * 1024

_mesh = plsc.VectorSubcoreMesh(core_axis_name="c", subcore_axis_name="s")


@functools.partial(
    pl.kernel,
    mesh=_mesh,
    compiler_params=pltpu.CompilerParams(needs_layout_passes=False,
                                         use_tc_tiling_on_sc=False),
    out_type=jax.ShapeDtypeStruct((BATCH,), jnp.float32),
    scratch_types=[
        pltpu.VMEM((BPW,), jnp.int32),
        pltpu.VMEM((BPW,), jnp.int32),
        pltpu.VMEM((DIM, BPW), jnp.int32),
        pltpu.VMEM((DIM, BPW), jnp.int32),
        pltpu.VMEM((DIM, BPW), jnp.float32),
        pltpu.VMEM((DIM, BPW), jnp.float32),
        pltpu.VMEM((BPW,), jnp.float32),
        pltpu.VMEM((BPW,), jnp.float32),
        pltpu.SemaphoreType.DMA,
    ],
)
def _mirt_sc(user_hbm, item_hbm, theta_t_hbm, a_t_hbm, b_hbm, out_hbm,
             uidx_v, iidx_v, tidx_v, aidx_v, th_v, a_v, b_v, out_v, sem):
    wid = lax.axis_index("s") * NUM_CORES + lax.axis_index("c")
    base = wid * BPW

    pltpu.sync_copy(user_hbm.at[pl.ds(base, BPW)], uidx_v)
    pltpu.sync_copy(item_hbm.at[pl.ds(base, BPW)], iidx_v)

    def idx_body(g, carry):
        sl = pl.ds(g * LANES, LANES)
        u = uidx_v[sl]
        it = iidx_v[sl]
        pu = ((u >> 7) << 10) + (u & 127)
        pi = ((it >> 7) << 10) + (it & 127)
        for d in range(DIM):
            tidx_v[d, sl] = pu + ((d // 8) * USER_ROW_STRIDE + (d % 8) * 128)
            aidx_v[d, sl] = pi + ((d // 8) * ITEM_ROW_STRIDE + (d % 8) * 128)
        return carry

    lax.fori_loop(0, GROUPS, idx_body, 0)

    copies = [pltpu.async_copy(b_hbm.at[iidx_v], b_v, sem)]
    for d in range(DIM):
        copies.append(pltpu.async_copy(
            theta_t_hbm.at[0].at[tidx_v.at[d]], th_v.at[d], sem))
        copies.append(pltpu.async_copy(
            a_t_hbm.at[0].at[aidx_v.at[d]], a_v.at[d], sem))
    for c in copies:
        c.wait()

    def group_body(g, carry):
        sl = pl.ds(g * LANES, LANES)
        acc = jnp.zeros((LANES,), jnp.float32)
        for d in range(DIM):
            acc = acc + th_v[d, sl] * a_v[d, sl]
        out_v[sl] = 1.0 / (1.0 + jnp.exp(b_v[sl] - acc))
        return carry

    lax.fori_loop(0, GROUPS, group_body, 0)

    pltpu.sync_copy(out_v, out_hbm.at[pl.ds(base, BPW)])


def kernel(user, item, theta_w, a_w, b_w):
    fmt2 = Layout(major_to_minor=(0, 1), tiling=((8, 128),))
    theta_t = with_layout_constraint(theta_w.T, fmt2)
    a_t = with_layout_constraint(a_w.T, fmt2)
    return _mirt_sc(user.astype(jnp.int32), item.astype(jnp.int32),
                    theta_t, a_t, jnp.reshape(b_w, (-1,)))

# --- scband reference (transcript-rebuilt; emitter-appended) ---
"""Pipeline reference for scband-mirtnet-9620726743432 (READ-ONLY COPY).

The authoritative reference and input builder live on the scoring server;
editing this copy changes nothing except your own understanding.
"""

import jax, jax.numpy as jnp
import numpy as np

USER_NUM = 1000000
ITEM_NUM = 100000
DIM = 16
BATCH = 16384

def setup_inputs(seed: int = 0) -> dict:
    key = jax.random.key(seed)
    k1, k2, k3, k4, k5 = jax.random.split(key, 5)
    user = jax.random.randint(k1, (BATCH,), 0, USER_NUM, dtype=jnp.int64 if jax.config.read('jax_enable_x64') else jnp.int32)
    item = jax.random.randint(k2, (BATCH,), 0, ITEM_NUM, dtype=jnp.int64 if jax.config.read('jax_enable_x64') else jnp.int32)
    theta_w = jax.random.normal(k3, (USER_NUM, DIM), dtype=jnp.float32) * 0.01
    a_w = jax.random.normal(k4, (ITEM_NUM, DIM), dtype=jnp.float32) * 0.01
    b_w = jax.random.normal(k5, (ITEM_NUM, 1), dtype=jnp.float32) * 0.01
    return {"user": user, "item": item, "theta_w": theta_w, "a_w": a_w, "b_w": b_w}

def reference(user, item, theta_w, a_w, b_w):
    # theta = embedding lookup; torch.squeeze(dim=-1) is a no-op for dim=16
    theta = jnp.take(theta_w, user, axis=0)            # [B, DIM]
    a = jnp.take(a_w, item, axis=0)                    # [B, DIM]
    b = jnp.squeeze(jnp.take(b_w, item, axis=0), -1)   # [B]
    return 1.0 / (1.0 + jnp.exp(b - jnp.sum(a * theta, axis=-1)))

if __name__ == "__main__":
    import jax
    _d = setup_inputs()
    print(jax.jit(kernel)(*tuple(_d.values())))

</pallas_src>

<mosaic_0001>
#map = affine_map<(d0, d1) -> (0)>
#map1 = affine_map<(d0, d1) -> (0, 0)>
module attributes {stable_mosaic.version = 14 : i64} {
  func.func @_mirt_sc(%arg0: i32, %arg1: i32, %arg2: memref<16384xi32, #tpu.memory_space<hbm>>, %arg3: memref<16384xi32, #tpu.memory_space<hbm>>, %arg4: memref<16x1000000xf32, #tpu.memory_space<hbm>>, %arg5: memref<16x100000xf32, #tpu.memory_space<hbm>>, %arg6: memref<100000xf32, #tpu.memory_space<hbm>>, %arg7: memref<16384xf32, #tpu.memory_space<hbm>>, %arg8: memref<512xi32, #tpu.memory_space<vmem>>, %arg9: memref<512xi32, #tpu.memory_space<vmem>>, %arg10: memref<16x512xi32, #tpu.memory_space<vmem>>, %arg11: memref<16x512xi32, #tpu.memory_space<vmem>>, %arg12: memref<16x512xf32, #tpu.memory_space<vmem>>, %arg13: memref<16x512xf32, #tpu.memory_space<vmem>>, %arg14: memref<512xf32, #tpu.memory_space<vmem>>, %arg15: memref<512xf32, #tpu.memory_space<vmem>>, %arg16: memref<!tpu.dma_semaphore, #tpu.memory_space<semaphore_mem>>) attributes {dimension_semantics = [#tpu.dimension_semantics<core_parallel>, #tpu.dimension_semantics<subcore_parallel>], iteration_bounds = array<i64: 2, 16>, scalar_prefetch = 0 : i64, scratch_operands = 9 : i64, tpu.core_type = #tpu.core_type<sc_vector_subcore>, window_params = [{transform_indices = #map}, {transform_indices = #map}, {transform_indices = #map1}, {transform_indices = #map1}, {transform_indices = #map}, {transform_indices = #map}]} {
    %mul3A = arith.constant 2 : i32
    %mul3A_0 = arith.muli %arg1, %mul3A : i32
    %add3A = arith.addi %mul3A_0, %arg0 : i32
    %mul3A_1 = arith.constant 512 : i32
    %mul3A_2 = arith.muli %add3A, %mul3A_1 : i32
    "tpu.region"() ({
      %run_scoped3A = tpu.sem_alloc : memref<!tpu.dma_semaphore, #tpu.memory_space<semaphore_mem>>
      %dma_start3A_912 = tpu.memref_slice %arg2[%mul3A_2] : memref<16384xi32, #tpu.memory_space<hbm>> -> memref<512xi32, #tpu.memory_space<hbm>>
      %dma_start3A_913 = tpu.memref_slice %arg2[%mul3A_2] : memref<16384xi32, #tpu.memory_space<hbm>> -> memref<512xi32, #tpu.memory_space<hbm>>
      tpu.enqueue_dma source(%dma_start3A_913 : memref<512xi32, #tpu.memory_space<hbm>>) target(%arg8 : memref<512xi32, #tpu.memory_space<vmem>>) target_semaphore(%run_scoped3A : memref<!tpu.dma_semaphore, #tpu.memory_space<semaphore_mem>>)
      %dma_wait3A_914 = tpu.memref_slice %arg2[%mul3A_2] : memref<16384xi32, #tpu.memory_space<hbm>> -> memref<512xi32, #tpu.memory_space<hbm>>
      %dma_wait3A_915 = tpu.memref_slice %arg2[%mul3A_2] : memref<16384xi32, #tpu.memory_space<hbm>> -> memref<512xi32, #tpu.memory_space<hbm>>
      tpu.wait_dma2 semaphore(%run_scoped3A : memref<!tpu.dma_semaphore, #tpu.memory_space<semaphore_mem>>) src(%dma_wait3A_915 : memref<512xi32, #tpu.memory_space<hbm>>) dst(%arg8 : memref<512xi32, #tpu.memory_space<vmem>>)
      tpu.yield
    }) : () -> ()
    "tpu.region"() ({
      %run_scoped3A = tpu.sem_alloc : memref<!tpu.dma_semaphore, #tpu.memory_space<semaphore_mem>>
      %dma_start3A_912 = tpu.memref_slice %arg3[%mul3A_2] : memref<16384xi32, #tpu.memory_space<hbm>> -> memref<512xi32, #tpu.memory_space<hbm>>
      %dma_start3A_913 = tpu.memref_slice %arg3[%mul3A_2] : memref<16384xi32, #tpu.memory_space<hbm>> -> memref<512xi32, #tpu.memory_space<hbm>>
      tpu.enqueue_dma source(%dma_start3A_913 : memref<512xi32, #tpu.memory_space<hbm>>) target(%arg9 : memref<512xi32, #tpu.memory_space<vmem>>) target_semaphore(%run_scoped3A : memref<!tpu.dma_semaphore, #tpu.memory_space<semaphore_mem>>)
      %dma_wait3A_914 = tpu.memref_slice %arg3[%mul3A_2] : memref<16384xi32, #tpu.memory_space<hbm>> -> memref<512xi32, #tpu.memory_space<hbm>>
      %dma_wait3A_915 = tpu.memref_slice %arg3[%mul3A_2] : memref<16384xi32, #tpu.memory_space<hbm>> -> memref<512xi32, #tpu.memory_space<hbm>>
      tpu.wait_dma2 semaphore(%run_scoped3A : memref<!tpu.dma_semaphore, #tpu.memory_space<semaphore_mem>>) src(%dma_wait3A_915 : memref<512xi32, #tpu.memory_space<hbm>>) dst(%arg9 : memref<512xi32, #tpu.memory_space<vmem>>)
      tpu.yield
    }) : () -> ()
    %scan3A = arith.constant 0 : i32
    %scan3A_3 = arith.constant 0 : i32
    %scan3A_4 = arith.constant 32 : i32
    %scan3A_5 = arith.addi %scan3A_3, %scan3A_4 : i32
    %scan3A_6 = arith.constant 1 : i32
    scf.for %scan3A_912 = %scan3A_3 to %scan3A_5 step %scan3A_6  : i32 {
      %mul3A_913 = arith.constant 16 : i32
      %mul3A_914 = arith.muli %scan3A_912, %mul3A_913 : i32
      %get3A = arith.index_cast %mul3A_914 : i32 to index
      %get3A_915 = tpu.vector_load %arg8[%get3A] {strides = array<i32>} : memref<512xi32, #tpu.memory_space<vmem>>, vector<16xi32>,
      %get3A_916 = arith.index_cast %mul3A_914 : i32 to index
      %get3A_917 = tpu.vector_load %arg9[%get3A_916] {strides = array<i32>} : memref<512xi32, #tpu.memory_space<vmem>>, vector<16xi32>,
      %shift_right_arithmetic3A = arith.constant 7 : i32
      %shift_right_arithmetic3A_918 = vector.broadcast %shift_right_arithmetic3A : i32 to vector<16xi32>
      %shift_right_arithmetic3A_919 = arith.shrsi %get3A_915, %shift_right_arithmetic3A_918 : vector<16xi32>
      %shift_left3A = arith.constant 10 : i32
      %shift_left3A_920 = vector.broadcast %shift_left3A : i32 to vector<16xi32>
      %shift_left3A_921 = arith.shli %shift_right_arithmetic3A_919, %shift_left3A_920 : vector<16xi32>
      %and3A = arith.constant 127 : i32
      %and3A_922 = vector.broadcast %and3A : i32 to vector<16xi32>
      %and3A_923 = arith.andi %get3A_915, %and3A_922 : vector<16xi32>
      %add3A_924 = arith.addi %shift_left3A_921, %and3A_923 : vector<16xi32>
      %shift_right_arithmetic3A_925 = arith.constant 7 : i32
      %shift_right_arithmetic3A_926 = vector.broadcast %shift_right_arithmetic3A_925 : i32 to vector<16xi32>
      %shift_right_arithmetic3A_927 = arith.shrsi %get3A_917, %shift_right_arithmetic3A_926 : vector<16xi32>
      %shift_left3A_928 = arith.constant 10 : i32
      %shift_left3A_929 = vector.broadcast %shift_left3A_928 : i32 to vector<16xi32>
      %shift_left3A_930 = arith.shli %shift_right_arithmetic3A_927, %shift_left3A_929 : vector<16xi32>
      %and3A_931 = arith.constant 127 : i32
      %and3A_932 = vector.broadcast %and3A_931 : i32 to vector<16xi32>
      %and3A_933 = arith.andi %get3A_917, %and3A_932 : vector<16xi32>
      %add3A_934 = arith.addi %shift_left3A_930, %and3A_933 : vector<16xi32>
      %add3A_935 = arith.constant 0 : i32
      %add3A_936 = vector.broadcast %add3A_935 : i32 to vector<16xi32>
      %add3A_937 = arith.addi %add3A_924, %add3A_936 : vector<16xi32>
      %swap3A = arith.constant 0 : i32
      %swap3A_938 = arith.index_cast %swap3A : i32 to index
      %swap3A_939 = arith.index_cast %mul3A_914 : i32 to index
      %swap3A_940 = tpu.vector_load %arg10[%swap3A_938, %swap3A_939] {strides = array<i32>} : memref<16x512xi32, #tpu.memory_space<vmem>>, vector<16xi32>,
      tpu.vector_store %arg10[%swap3A_938, %swap3A_939], %add3A_937 {strides = array<i32>} : memref<16x512xi32, #tpu.memory_space<vmem>>, vector<16xi32>,
      %add3A_941 = arith.constant 0 : i32
      %add3A_942 = vector.broadcast %add3A_941 : i32 to vector<16xi32>
      %add3A_943 = arith.addi %add3A_934, %add3A_942 : vector<16xi32>
      %swap3A_944 = arith.constant 0 : i32
      %swap3A_945 = arith.index_cast %swap3A_944 : i32 to index
      %swap3A_946 = arith.index_cast %mul3A_914 : i32 to index
      %swap3A_947 = tpu.vector_load %arg11[%swap3A_945, %swap3A_946] {strides = array<i32>} : memref<16x512xi32, #tpu.memory_space<vmem>>, vector<16xi32>,
      tpu.vector_store %arg11[%swap3A_945, %swap3A_946], %add3A_943 {strides = array<i32>} : memref<16x512xi32, #tpu.memory_space<vmem>>, vector<16xi32>,
      %add3A_948 = arith.constant 128 : i32
      %add3A_949 = vector.broadcast %add3A_948 : i32 to vector<16xi32>
      %add3A_950 = arith.addi %add3A_924, %add3A_949 : vector<16xi32>
      %swap3A_951 = arith.constant 1 : i32
      %swap3A_952 = arith.index_cast %swap3A_951 : i32 to index
      %swap3A_953 = arith.index_cast %mul3A_914 : i32 to index
      %swap3A_954 = tpu.vector_load %arg10[%swap3A_952, %swap3A_953] {strides = array<i32>} : memref<16x512xi32, #tpu.memory_space<vmem>>, vector<16xi32>,
      tpu.vector_store %arg10[%swap3A_952, %swap3A_953], %add3A_950 {strides = array<i32>} : memref<16x512xi32, #tpu.memory_space<vmem>>, vector<16xi32>,
      %add3A_955 = arith.constant 128 : i32
      %add3A_956 = vector.broadcast %add3A_955 : i32 to vector<16xi32>
      %add3A_957 = arith.addi %add3A_934, %add3A_956 : vector<16xi32>
      %swap3A_958 = arith.constant 1 : i32
      %swap3A_959 = arith.index_cast %swap3A_958 : i32 to index
      %swap3A_960 = arith.index_cast %mul3A_914 : i32 to index
      %swap3A_961 = tpu.vector_load %arg11[%swap3A_959, %swap3A_960] {strides = array<i32>} : memref<16x512xi32, #tpu.memory_space<vmem>>, vector<16xi32>,
      tpu.vector_store %arg11[%swap3A_959, %swap3A_960], %add3A_957 {strides = array<i32>} : memref<16x512xi32, #tpu.memory_space<vmem>>, vector<16xi32>,
      %add3A_962 = arith.constant 256 : i32
      %add3A_963 = vector.broadcast %add3A_962 : i32 to vector<16xi32>
      %add3A_964 = arith.addi %add3A_924, %add3A_963 : vector<16xi32>
      %swap3A_965 = arith.constant 2 : i32
      %swap3A_966 = arith.index_cast %swap3A_965 : i32 to index
      %swap3A_967 = arith.index_cast %mul3A_914 : i32 to index
      %swap3A_968 = tpu.vector_load %arg10[%swap3A_966, %swap3A_967] {strides = array<i32>} : memref<16x512xi32, #tpu.memory_space<vmem>>, vector<16xi32>,
      tpu.vector_store %arg10[%swap3A_966, %swap3A_967], %add3A_964 {strides = array<i32>} : memref<16x512xi32, #tpu.memory_space<vmem>>, vector<16xi32>,
      %add3A_969 = arith.constant 256 : i32
      %add3A_970 = vector.broadcast %add3A_969 : i32 to vector<16xi32>
      %add3A_971 = arith.addi %add3A_934, %add3A_970 : vector<16xi32>
      %swap3A_972 = arith.constant 2 : i32
      %swap3A_973 = arith.index_cast %swap3A_972 : i32 to index
      %swap3A_974 = arith.index_cast %mul3A_914 : i32 to index
      %swap3A_975 = tpu.vector_load %arg11[%swap3A_973, %swap3A_974] {strides = array<i32>} : memref<16x512xi32, #tpu.memory_space<vmem>>, vector<16xi32>,
      tpu.vector_store %arg11[%swap3A_973, %swap3A_974], %add3A_971 {strides = array<i32>} : memref<16x512xi32, #tpu.memory_space<vmem>>, vector<16xi32>,
      %add3A_976 = arith.constant 384 : i32
      %add3A_977 = vector.broadcast %add3A_976 : i32 to vector<16xi32>
      %add3A_978 = arith.addi %add3A_924, %add3A_977 : vector<16xi32>
      %swap3A_979 = arith.constant 3 : i32
      %swap3A_980 = arith.index_cast %swap3A_979 : i32 to index
      %swap3A_981 = arith.index_cast %mul3A_914 : i32 to index
      %swap3A_982 = tpu.vector_load %arg10[%swap3A_980, %swap3A_981] {strides = array<i32>} : memref<16x512xi32, #tpu.memory_space<vmem>>, vector<16xi32>,
      tpu.vector_store %arg10[%swap3A_980, %swap3A_981], %add3A_978 {strides = array<i32>} : memref<16x512xi32, #tpu.memory_space<vmem>>, vector<16xi32>,
      %add3A_983 = arith.constant 384 : i32
      %add3A_984 = vector.broadcast %add3A_983 : i32 to vector<16xi32>
      %add3A_985 = arith.addi %add3A_934, %add3A_984 : vector<16xi32>
      %swap3A_986 = arith.constant 3 : i32
      %swap3A_987 = arith.index_cast %swap3A_986 : i32 to index
      %swap3A_988 = arith.index_cast %mul3A_914 : i32 to index
      %swap3A_989 = tpu.vector_load %arg11[%swap3A_987, %swap3A_988] {strides = array<i32>} : memref<16x512xi32, #tpu.memory_space<vmem>>, vector<16xi32>,
      tpu.vector_store %arg11[%swap3A_987, %swap3A_988], %add3A_985 {strides = array<i32>} : memref<16x512xi32, #tpu.memory_space<vmem>>, vector<16xi32>,
      %add3A_990 = arith.constant 512 : i32
      %add3A_991 = vector.broadcast %add3A_990 : i32 to vector<16xi32>
      %add3A_992 = arith.addi %add3A_924, %add3A_991 : vector<16xi32>
      %swap3A_993 = arith.constant 4 : i32
      %swap3A_994 = arith.index_cast %swap3A_993 : i32 to index
      %swap3A_995 = arith.index_cast %mul3A_914 : i32 to index
      %swap3A_996 = tpu.vector_load %arg10[%swap3A_994, %swap3A_995] {strides = array<i32>} : memref<16x512xi32, #tpu.memory_space<vmem>>, vector<16xi32>,
      tpu.vector_store %arg10[%swap3A_994, %swap3A_995], %add3A_992 {strides = array<i32>} : memref<16x512xi32, #tpu.memory_space<vmem>>, vector<16xi32>,
      %add3A_997 = arith.constant 512 : i32
      %add3A_998 = vector.broadcast %add3A_997 : i32 to vector<16xi32>
      %add3A_999 = arith.addi %add3A_934, %add3A_998 : vector<16xi32>
      %swap3A_1000 = arith.constant 4 : i32
      %swap3A_1001 = arith.index_cast %swap3A_1000 : i32 to index
      %swap3A_1002 = arith.index_cast %mul3A_914 : i32 to index
      %swap3A_1003 = tpu.vector_load %arg11[%swap3A_1001, %swap3A_1002] {strides = array<i32>} : memref<16x512xi32, #tpu.memory_space<vmem>>, vector<16xi32>,
      tpu.vector_store %arg11[%swap3A_1001, %swap3A_1002], %add3A_999 {strides = array<i32>} : memref<16x512xi32, #tpu.memory_space<vmem>>, vector<16xi32>,
      %add3A_1004 = arith.constant 640 : i32
      %add3A_1005 = vector.broadcast %add3A_1004 : i32 to vector<16xi32>
      %add3A_1006 = arith.addi %add3A_924, %add3A_1005 : vector<16xi32>
      %swap3A_1007 = arith.constant 5 : i32
      %swap3A_1008 = arith.index_cast %swap3A_1007 : i32 to index
      %swap3A_1009 = arith.index_cast %mul3A_914 : i32 to index
      %swap3A_1010 = tpu.vector_load %arg10[%swap3A_1008, %swap3A_1009] {strides = array<i32>} : memref<16x512xi32, #tpu.memory_space<vmem>>, vector<16xi32>,
      tpu.vector_store %arg10[%swap3A_1008, %swap3A_1009], %add3A_1006 {strides = array<i32>} : memref<16x512xi32, #tpu.memory_space<vmem>>, vector<16xi32>,
      %add3A_1011 = arith.constant 640 : i32
      %add3A_1012 = vector.broadcast %add3A_1011 : i32 to vector<16xi32>
      %add3A_1013 = arith.addi %add3A_934, %add3A_1012 : vector<16xi32>
      %swap3A_1014 = arith.constant 5 : i32
      %swap3A_1015 = arith.index_cast %swap3A_1014 : i32 to index
      %swap3A_1016 = arith.index_cast %mul3A_914 : i32 to index
      %swap3A_1017 = tpu.vector_load %arg11[%swap3A_1015, %swap3A_1016] {strides = array<i32>} : memref<16x512xi32, #tpu.memory_space<vmem>>, vector<16xi32>,
      tpu.vector_store %arg11[%swap3A_1015, %swap3A_1016], %add3A_1013 {strides = array<i32>} : memref<16x512xi32, #tpu.memory_space<vmem>>, vector<16xi32>,
      %add3A_1018 = arith.constant 768 : i32
      %add3A_1019 = vector.broadcast %add3A_1018 : i32 to vector<16xi32>
      %add3A_1020 = arith.addi %add3A_924, %add3A_1019 : vector<16xi32>
      %swap3A_1021 = arith.constant 6 : i32
      %swap3A_1022 = arith.index_cast %swap3A_1021 : i32 to index
      %swap3A_1023 = arith.index_cast %mul3A_914 : i32 to index
      %swap3A_1024 = tpu.vector_load %arg10[%swap3A_1022, %swap3A_1023] {strides = array<i32>} : memref<16x512xi32, #tpu.memory_space<vmem>>, vector<16xi32>,
      tpu.vector_store %arg10[%swap3A_1022, %swap3A_1023], %add3A_1020 {strides = array<i32>} : memref<16x512xi32, #tpu.memory_space<vmem>>, vector<16xi32>,
      %add3A_1025 = arith.constant 768 : i32
      %add3A_1026 = vector.broadcast %add3A_1025 : i32 to vector<16xi32>
      %add3A_1027 = arith.addi %add3A_934, %add3A_1026 : vector<16xi32>
      %swap3A_1028 = arith.constant 6 : i32
      %swap3A_1029 = arith.index_cast %swap3A_1028 : i32 to index
      %swap3A_1030 = arith.index_cast %mul3A_914 : i32 to index
      %swap3A_1031 = tpu.vector_load %arg11[%swap3A_1029, %swap3A_1030] {strides = array<i32>} : memref<16x512xi32, #tpu.memory_space<vmem>>, vector<16xi32>,
      tpu.vector_store %arg11[%swap3A_1029, %swap3A_1030], %add3A_1027 {strides = array<i32>} : memref<16x512xi32, #tpu.memory_space<vmem>>, vector<16xi32>,
      %add3A_1032 = arith.constant 896 : i32
      %add3A_1033 = vector.broadcast %add3A_1032 : i32 to vector<16xi32>
      %add3A_1034 = arith.addi %add3A_924, %add3A_1033 : vector<16xi32>
      %swap3A_1035 = arith.constant 7 : i32
      %swap3A_1036 = arith.index_cast %swap3A_1035 : i32 to index
      %swap3A_1037 = arith.index_cast %mul3A_914 : i32 to index
      %swap3A_1038 = tpu.vector_load %arg10[%swap3A_1036, %swap3A_1037] {strides = array<i32>} : memref<16x512xi32, #tpu.memory_space<vmem>>, vector<16xi32>,
      tpu.vector_store %arg10[%swap3A_1036, %swap3A_1037], %add3A_1034 {strides = array<i32>} : memref<16x512xi32, #tpu.memory_space<vmem>>, vector<16xi32>,
      %add3A_1039 = arith.constant 896 : i32
      %add3A_1040 = vector.broadcast %add3A_1039 : i32 to vector<16xi32>
      %add3A_1041 = arith.addi %add3A_934, %add3A_1040 : vector<16xi32>
      %swap3A_1042 = arith.constant 7 : i32
      %swap3A_1043 = arith.index_cast %swap3A_1042 : i32 to index
      %swap3A_1044 = arith.index_cast %mul3A_914 : i32 to index
      %swap3A_1045 = tpu.vector_load %arg11[%swap3A_1043, %swap3A_1044] {strides = array<i32>} : memref<16x512xi32, #tpu.memory_space<vmem>>, vector<16xi32>,
      tpu.vector_store %arg11[%swap3A_1043, %swap3A_1044], %add3A_1041 {strides = array<i32>} : memref<16x512xi32, #tpu.memory_space<vmem>>, vector<16xi32>,
      %add3A_1046 = arith.constant 8000512 : i32
      %add3A_1047 = vector.broadcast %add3A_1046 : i32 to vector<16xi32>
      %add3A_1048 = arith.addi %add3A_924, %add3A_1047 : vector<16xi32>
      %swap3A_1049 = arith.constant 8 : i32
      %swap3A_1050 = arith.index_cast %swap3A_1049 : i32 to index
      %swap3A_1051 = arith.index_cast %mul3A_914 : i32 to index
      %swap3A_1052 = tpu.vector_load %arg10[%swap3A_1050, %swap3A_1051] {strides = array<i32>} : memref<16x512xi32, #tpu.memory_space<vmem>>, vector<16xi32>,
      tpu.vector_store %arg10[%swap3A_1050, %swap3A_1051], %add3A_1048 {strides = array<i32>} : memref<16x512xi32, #tpu.memory_space<vmem>>, vector<16xi32>,
      %add3A_1053 = arith.constant 800768 : i32
      %add3A_1054 = vector.broadcast %add3A_1053 : i32 to vector<16xi32>
      %add3A_1055 = arith.addi %add3A_934, %add3A_1054 : vector<16xi32>
      %swap3A_1056 = arith.constant 8 : i32
      %swap3A_1057 = arith.index_cast %swap3A_1056 : i32 to index
      %swap3A_1058 = arith.index_cast %mul3A_914 : i32 to index
      %swap3A_1059 = tpu.vector_load %arg11[%swap3A_1057, %swap3A_1058] {strides = array<i32>} : memref<16x512xi32, #tpu.memory_space<vmem>>, vector<16xi32>,
      tpu.vector_store %arg11[%swap3A_1057, %swap3A_1058], %add3A_1055 {strides = array<i32>} : memref<16x512xi32, #tpu.memory_space<vmem>>, vector<16xi32>,
      %add3A_1060 = arith.constant 8000640 : i32
      %add3A_1061 = vector.broadcast %add3A_1060 : i32 to vector<16xi32>
      %add3A_1062 = arith.addi %add3A_924, %add3A_1061 : vector<16xi32>
      %swap3A_1063 = arith.constant 9 : i32
      %swap3A_1064 = arith.index_cast %swap3A_1063 : i32 to index
      %swap3A_1065 = arith.index_cast %mul3A_914 : i32 to index
      %swap3A_1066 = tpu.vector_load %arg10[%swap3A_1064, %swap3A_1065] {strides = array<i32>} : memref<16x512xi32, #tpu.memory_space<vmem>>, vector<16xi32>,
      tpu.vector_store %arg10[%swap3A_1064, %swap3A_1065], %add3A_1062 {strides = array<i32>} : memref<16x512xi32, #tpu.memory_space<vmem>>, vector<16xi32>,
      %add3A_1067 = arith.constant 800896 : i32
      %add3A_1068 = vector.broadcast %add3A_1067 : i32 to vector<16xi32>
      %add3A_1069 = arith.addi %add3A_934, %add3A_1068 : vector<16xi32>
      %swap3A_1070 = arith.constant 9 : i32
      %swap3A_1071 = arith.index_cast %swap3A_1070 : i32 to index
      %swap3A_1072 = arith.index_cast %mul3A_914 : i32 to index
      %swap3A_1073 = tpu.vector_load %arg11[%swap3A_1071, %swap3A_1072] {strides = array<i32>} : memref<16x512xi32, #tpu.memory_space<vmem>>, vector<16xi32>,
      tpu.vector_store %arg11[%swap3A_1071, %swap3A_1072], %add3A_1069 {strides = array<i32>} : memref<16x512xi32, #tpu.memory_space<vmem>>, vector<16xi32>,
      %add3A_1074 = arith.constant 8000768 : i32
      %add3A_1075 = vector.broadcast %add3A_1074 : i32 to vector<16xi32>
      %add3A_1076 = arith.addi %add3A_924, %add3A_1075 : vector<16xi32>
      %swap3A_1077 = arith.constant 10 : i32
      %swap3A_1078 = arith.index_cast %swap3A_1077 : i32 to index
      %swap3A_1079 = arith.index_cast %mul3A_914 : i32 to index
      %swap3A_1080 = tpu.vector_load %arg10[%swap3A_1078, %swap3A_1079] {strides = array<i32>} : memref<16x512xi32, #tpu.memory_space<vmem>>, vector<16xi32>,
      tpu.vector_store %arg10[%swap3A_1078, %swap3A_1079], %add3A_1076 {strides = array<i32>} : memref<16x512xi32, #tpu.memory_space<vmem>>, vector<16xi32>,
      %add3A_1081 = arith.constant 801024 : i32
      %add3A_1082 = vector.broadcast %add3A_1081 : i32 to vector<16xi32>
      %add3A_1083 = arith.addi %add3A_934, %add3A_1082 : vector<16xi32>
      %swap3A_1084 = arith.constant 10 : i32
      %swap3A_1085 = arith.index_cast %swap3A_1084 : i32 to index
      %swap3A_1086 = arith.index_cast %mul3A_914 : i32 to index
      %swap3A_1087 = tpu.vector_load %arg11[%swap3A_1085, %swap3A_1086] {strides = array<i32>} : memref<16x512xi32, #tpu.memory_space<vmem>>, vector<16xi32>,
      tpu.vector_store %arg11[%swap3A_1085, %swap3A_1086], %add3A_1083 {strides = array<i32>} : memref<16x512xi32, #tpu.memory_space<vmem>>, vector<16xi32>,
      %add3A_1088 = arith.constant 8000896 : i32
      %add3A_1089 = vector.broadcast %add3A_1088 : i32 to vector<16xi32>
      %add3A_1090 = arith.addi %add3A_924, %add3A_1089 : vector<16xi32>
      %swap3A_1091 = arith.constant 11 : i32
      %swap3A_1092 = arith.index_cast %swap3A_1091 : i32 to index
      %swap3A_1093 = arith.index_cast %mul3A_914 : i32 to index
      %swap3A_1094 = tpu.vector_load %arg10[%swap3A_1092, %swap3A_1093] {strides = array<i32>} : memref<16x512xi32, #tpu.memory_space<vmem>>, vector<16xi32>,
      tpu.vector_store %arg10[%swap3A_1092, %swap3A_1093], %add3A_1090 {strides = array<i32>} : memref<16x512xi32, #tpu.memory_space<vmem>>, vector<16xi32>,
      %add3A_1095 = arith.constant 801152 : i32
      %add3A_1096 = vector.broadcast %add3A_1095 : i32 to vector<16xi32>
      %add3A_1097 = arith.addi %add3A_934, %add3A_1096 : vector<16xi32>
      %swap3A_1098 = arith.constant 11 : i32
      %swap3A_1099 = arith.index_cast %swap3A_1098 : i32 to index
      %swap3A_1100 = arith.index_cast %mul3A_914 : i32 to index
      %swap3A_1101 = tpu.vector_load %arg11[%swap3A_1099, %swap3A_1100] {strides = array<i32>} : memref<16x512xi32, #tpu.memory_space<vmem>>, vector<16xi32>,
      tpu.vector_store %arg11[%swap3A_1099, %swap3A_1100], %add3A_1097 {strides = array<i32>} : memref<16x512xi32, #tpu.memory_space<vmem>>, vector<16xi32>,
      %add3A_1102 = arith.constant 8001024 : i32
      %add3A_1103 = vector.broadcast %add3A_1102 : i32 to vector<16xi32>
      %add3A_1104 = arith.addi %add3A_924, %add3A_1103 : vector<16xi32>
      %swap3A_1105 = arith.constant 12 : i32
      %swap3A_1106 = arith.index_cast %swap3A_1105 : i32 to index
      %swap3A_1107 = arith.index_cast %mul3A_914 : i32 to index
      %swap3A_1108 = tpu.vector_load %arg10[%swap3A_1106, %swap3A_1107] {strides = array<i32>} : memref<16x512xi32, #tpu.memory_space<vmem>>, vector<16xi32>,
      tpu.vector_store %arg10[%swap3A_1106, %swap3A_1107], %add3A_1104 {strides = array<i32>} : memref<16x512xi32, #tpu.memory_space<vmem>>, vector<16xi32>,
      %add3A_1109 = arith.constant 801280 : i32
      %add3A_1110 = vector.broadcast %add3A_1109 : i32 to vector<16xi32>
      %add3A_1111 = arith.addi %add3A_934, %add3A_1110 : vector<16xi32>
      %swap3A_1112 = arith.constant 12 : i32
      %swap3A_1113 = arith.index_cast %swap3A_1112 : i32 to index
      %swap3A_1114 = arith.index_cast %mul3A_914 : i32 to index
      %swap3A_1115 = tpu.vector_load %arg11[%swap3A_1113, %swap3A_1114] {strides = array<i32>} : memref<16x512xi32, #tpu.memory_space<vmem>>, vector<16xi32>,
      tpu.vector_store %arg11[%swap3A_1113, %swap3A_1114], %add3A_1111 {strides = array<i32>} : memref<16x512xi32, #tpu.memory_space<vmem>>, vector<16xi32>,
      %add3A_1116 = arith.constant 8001152 : i32
      %add3A_1117 = vector.broadcast %add3A_1116 : i32 to vector<16xi32>
      %add3A_1118 = arith.addi %add3A_924, %add3A_1117 : vector<16xi32>
      %swap3A_1119 = arith.constant 13 : i32
      %swap3A_1120 = arith.index_cast %swap3A_1119 : i32 to index
      %swap3A_1121 = arith.index_cast %mul3A_914 : i32 to index
      %swap3A_1122 = tpu.vector_load %arg10[%swap3A_1120, %swap3A_1121] {strides = array<i32>} : memref<16x512xi32, #tpu.memory_space<vmem>>, vector<16xi32>,
      tpu.vector_store %arg10[%swap3A_1120, %swap3A_1121], %add3A_1118 {strides = array<i32>} : memref<16x512xi32, #tpu.memory_space<vmem>>, vector<16xi32>,
      %add3A_1123 = arith.constant 801408 : i32
      %add3A_1124 = vector.broadcast %add3A_1123 : i32 to vector<16xi32>
      %add3A_1125 = arith.addi %add3A_934, %add3A_1124 : vector<16xi32>
      %swap3A_1126 = arith.constant 13 : i32
      %swap3A_1127 = arith.index_cast %swap3A_1126 : i32 to index
      %swap3A_1128 = arith.index_cast %mul3A_914 : i32 to index
      %swap3A_1129 = tpu.vector_load %arg11[%swap3A_1127, %swap3A_1128] {strides = array<i32>} : memref<16x512xi32, #tpu.memory_space<vmem>>, vector<16xi32>,
      tpu.vector_store %arg11[%swap3A_1127, %swap3A_1128], %add3A_1125 {strides = array<i32>} : memref<16x512xi32, #tpu.memory_space<vmem>>, vector<16xi32>,
      %add3A_1130 = arith.constant 8001280 : i32
      %add3A_1131 = vector.broadcast %add3A_1130 : i32 to vector<16xi32>
      %add3A_1132 = arith.addi %add3A_924, %add3A_1131 : vector<16xi32>
      %swap3A_1133 = arith.constant 14 : i32
      %swap3A_1134 = arith.index_cast %swap3A_1133 : i32 to index
      %swap3A_1135 = arith.index_cast %mul3A_914 : i32 to index
      %swap3A_1136 = tpu.vector_load %arg10[%swap3A_1134, %swap3A_1135] {strides = array<i32>} : memref<16x512xi32, #tpu.memory_space<vmem>>, vector<16xi32>,
      tpu.vector_store %arg10[%swap3A_1134, %swap3A_1135], %add3A_1132 {strides = array<i32>} : memref<16x512xi32, #tpu.memory_space<vmem>>, vector<16xi32>,
      %add3A_1137 = arith.constant 801536 : i32
      %add3A_1138 = vector.broadcast %add3A_1137 : i32 to vector<16xi32>
      %add3A_1139 = arith.addi %add3A_934, %add3A_1138 : vector<16xi32>
      %swap3A_1140 = arith.constant 14 : i32
      %swap3A_1141 = arith.index_cast %swap3A_1140 : i32 to index
      %swap3A_1142 = arith.index_cast %mul3A_914 : i32 to index
      %swap3A_1143 = tpu.vector_load %arg11[%swap3A_1141, %swap3A_1142] {strides = array<i32>} : memref<16x512xi32, #tpu.memory_space<vmem>>, vector<16xi32>,
      tpu.vector_store %arg11[%swap3A_1141, %swap3A_1142], %add3A_1139 {strides = array<i32>} : memref<16x512xi32, #tpu.memory_space<vmem>>, vector<16xi32>,
      %add3A_1144 = arith.constant 8001408 : i32
      %add3A_1145 = vector.broadcast %add3A_1144 : i32 to vector<16xi32>
      %add3A_1146 = arith.addi %add3A_924, %add3A_1145 : vector<16xi32>
      %swap3A_1147 = arith.constant 15 : i32
      %swap3A_1148 = arith.index_cast %swap3A_1147 : i32 to index
      %swap3A_1149 = arith.index_cast %mul3A_914 : i32 to index
      %swap3A_1150 = tpu.vector_load %arg10[%swap3A_1148, %swap3A_1149] {strides = array<i32>} : memref<16x512xi32, #tpu.memory_space<vmem>>, vector<16xi32>,
      tpu.vector_store %arg10[%swap3A_1148, %swap3A_1149], %add3A_1146 {strides = array<i32>} : memref<16x512xi32, #tpu.memory_space<vmem>>, vector<16xi32>,
      %add3A_1151 = arith.constant 801664 : i32
      %add3A_1152 = vector.broadcast %add3A_1151 : i32 to vector<16xi32>
      %add3A_1153 = arith.addi %add3A_934, %add3A_1152 : vector<16xi32>
      %swap3A_1154 = arith.constant 15 : i32
      %swap3A_1155 = arith.index_cast %swap3A_1154 : i32 to index
      %swap3A_1156 = arith.index_cast %mul3A_914 : i32 to index
      %swap3A_1157 = tpu.vector_load %arg11[%swap3A_1155, %swap3A_1156] {strides = array<i32>} : memref<16x512xi32, #tpu.memory_space<vmem>>, vector<16xi32>,
      tpu.vector_store %arg11[%swap3A_1155, %swap3A_1156], %add3A_1153 {strides = array<i32>} : memref<16x512xi32, #tpu.memory_space<vmem>>, vector<16xi32>,
    }
    %scan3A_7 = arith.constant 32 : i32
    %dma_start3A = arith.constant 0 : i32
    %dma_start3A_8 = tpu.memref_slice %arg6[%dma_start3A] : memref<100000xf32, #tpu.memory_space<hbm>> -> memref<100000xf32, #tpu.memory_space<hbm>>
    tpu.enqueue_indirect_dma source(%dma_start3A_8 : memref<100000xf32, #tpu.memory_space<hbm>>) target(%arg14 : memref<512xf32, #tpu.memory_space<vmem>>) offsets(%arg9 : memref<512xi32, #tpu.memory_space<vmem>>) semaphore(%arg16 : memref<!tpu.dma_semaphore, #tpu.memory_space<semaphore_mem>>)
    %dma_start3A_9 = arith.constant 0 : i32
    %dma_start3A_10 = arith.constant 0 : i32
    %dma_start3A_11 = arith.constant 0 : i32
    %dma_start3A_12 = arith.constant 0 : i32
    %dma_start3A_13 = tpu.memref_slice %arg12[%dma_start3A_11, %dma_start3A_12] : memref<16x512xf32, #tpu.memory_space<vmem>> -> memref<1x512xf32, #tpu.memory_space<vmem>>
    %dma_start3A_14 = tpu.memref_squeeze %dma_start3A_13 : memref<1x512xf32, #tpu.memory_space<vmem>> -> memref<512xf32, #tpu.memory_space<vmem>>
    %dma_start3A_15 = arith.constant 0 : i32
    %dma_start3A_16 = tpu.memref_slice %arg10[%dma_start3A_10, %dma_start3A_15] : memref<16x512xi32, #tpu.memory_space<vmem>> -> memref<1x512xi32, #tpu.memory_space<vmem>>
    %dma_start3A_17 = tpu.memref_squeeze %dma_start3A_16 : memref<1x512xi32, #tpu.memory_space<vmem>> -> memref<512xi32, #tpu.memory_space<vmem>>
    %dma_start3A_18 = arith.constant 0 : i32
    %dma_start3A_19 = tpu.memref_slice %arg4[%dma_start3A_9, %dma_start3A_18] : memref<16x1000000xf32, #tpu.memory_space<hbm>> -> memref<1x1000000xf32, #tpu.memory_space<hbm>>
    %dma_start3A_20 = tpu.memref_squeeze %dma_start3A_19 : memref<1x1000000xf32, #tpu.memory_space<hbm>> -> memref<1000000xf32, #tpu.memory_space<hbm>>
    %dma_start3A_21 = arith.constant 0 : i32
    %dma_start3A_22 = tpu.memref_slice %dma_start3A_20[%dma_start3A_21] : memref<1000000xf32, #tpu.memory_space<hbm>> -> memref<1000000xf32, #tpu.memory_space<hbm>>
    tpu.enqueue_indirect_dma source(%dma_start3A_22 : memref<1000000xf32, #tpu.memory_space<hbm>>) target(%dma_start3A_14 : memref<512xf32, #tpu.memory_space<vmem>>) offsets(%dma_start3A_17 : memref<512xi32, #tpu.memory_space<vmem>>) semaphore(%arg16 : memref<!tpu.dma_semaphore, #tpu.memory_space<semaphore_mem>>)
    %dma_start3A_23 = arith.constant 0 : i32
    %dma_start3A_24 = arith.constant 0 : i32
    %dma_start3A_25 = arith.constant 0 : i32
    %dma_start3A_26 = arith.constant 0 : i32
    %dma_start3A_27 = tpu.memref_slice %arg13[%dma_start3A_25, %dma_start3A_26] : memref<16x512xf32, #tpu.memory_space<vmem>> -> memref<1x512xf32, #tpu.memory_space<vmem>>
    %dma_start3A_28 = tpu.memref_squeeze %dma_start3A_27 : memref<1x512xf32, #tpu.memory_space<vmem>> -> memref<512xf32, #tpu.memory_space<vmem>>
    %dma_start3A_29 = arith.constant 0 : i32
    %dma_start3A_30 = tpu.memref_slice %arg11[%dma_start3A_24, %dma_start3A_29] : memref<16x512xi32, #tpu.memory_space<vmem>> -> memref<1x512xi32, #tpu.memory_space<vmem>>
    %dma_start3A_31 = tpu.memref_squeeze %dma_start3A_30 : memref<1x512xi32, #tpu.memory_space<vmem>> -> memref<512xi32, #tpu.memory_space<vmem>>
    %dma_start3A_32 = arith.constant 0 : i32
    %dma_start3A_33 = tpu.memref_slice %arg5[%dma_start3A_23, %dma_start3A_32] : memref<16x100000xf32, #tpu.memory_space<hbm>> -> memref<1x100000xf32, #tpu.memory_space<hbm>>
    %dma_start3A_34 = tpu.memref_squeeze %dma_start3A_33 : memref<1x100000xf32, #tpu.memory_space<hbm>> -> memref<100000xf32, #tpu.memory_space<hbm>>
    %dma_start3A_35 = arith.constant 0 : i32
    %dma_start3A_36 = tpu.memref_slice %dma_start3A_34[%dma_start3A_35] : memref<100000xf32, #tpu.memory_space<hbm>> -> memref<100000xf32, #tpu.memory_space<hbm>>
    tpu.enqueue_indirect_dma source(%dma_start3A_36 : memref<100000xf32, #tpu.memory_space<hbm>>) target(%dma_start3A_28 : memref<512xf32, #tpu.memory_space<vmem>>) offsets(%dma_start3A_31 : memref<512xi32, #tpu.memory_space<vmem>>) semaphore(%arg16 : memref<!tpu.dma_semaphore, #tpu.memory_space<semaphore_mem>>)
    %dma_start3A_37 = arith.constant 0 : i32
    %dma_start3A_38 = arith.constant 1 : i32
    %dma_start3A_39 = arith.constant 1 : i32
    %dma_start3A_40 = arith.constant 0 : i32
    %dma_start3A_41 = tpu.memref_slice %arg12[%dma_start3A_39, %dma_start3A_40] : memref<16x512xf32, #tpu.memory_space<vmem>> -> memref<1x512xf32, #tpu.memory_space<vmem>>
    %dma_start3A_42 = tpu.memref_squeeze %dma_start3A_41 : memref<1x512xf32, #tpu.memory_space<vmem>> -> memref<512xf32, #tpu.memory_space<vmem>>
    %dma_start3A_43 = arith.constant 0 : i32
    %dma_start3A_44 = tpu.memref_slice %arg10[%dma_start3A_38, %dma_start3A_43] : memref<16x512xi32, #tpu.memory_space<vmem>> -> memref<1x512xi32, #tpu.memory_space<vmem>>
    %dma_start3A_45 = tpu.memref_squeeze %dma_start3A_44 : memref<1x512xi32, #tpu.memory_space<vmem>> -> memref<512xi32, #tpu.memory_space<vmem>>
    %dma_start3A_46 = arith.constant 0 : i32
    %dma_start3A_47 = tpu.memref_slice %arg4[%dma_start3A_37, %dma_start3A_46] : memref<16x1000000xf32, #tpu.memory_space<hbm>> -> memref<1x1000000xf32, #tpu.memory_space<hbm>>
    %dma_start3A_48 = tpu.memref_squeeze %dma_start3A_47 : memref<1x1000000xf32, #tpu.memory_space<hbm>> -> memref<1000000xf32, #tpu.memory_space<hbm>>
    %dma_start3A_49 = arith.constant 0 : i32
    %dma_start3A_50 = tpu.memref_slice %dma_start3A_48[%dma_start3A_49] : memref<1000000xf32, #tpu.memory_space<hbm>> -> memref<1000000xf32, #tpu.memory_space<hbm>>
    tpu.enqueue_indirect_dma source(%dma_start3A_50 : memref<1000000xf32, #tpu.memory_space<hbm>>) target(%dma_start3A_42 : memref<512xf32, #tpu.memory_space<vmem>>) offsets(%dma_start3A_45 : memref<512xi32, #tpu.memory_space<vmem>>) semaphore(%arg16 : memref<!tpu.dma_semaphore, #tpu.memory_space<semaphore_mem>>)
    %dma_start3A_51 = arith.constant 0 : i32
    %dma_start3A_52 = arith.constant 1 : i32
    %dma_start3A_53 = arith.constant 1 : i32
    %dma_start3A_54 = arith.constant 0 : i32
    %dma_start3A_55 = tpu.memref_slice %arg13[%dma_start3A_53, %dma_start3A_54] : memref<16x512xf32, #tpu.memory_space<vmem>> -> memref<1x512xf32, #tpu.memory_space<vmem>>
    %dma_start3A_56 = tpu.memref_squeeze %dma_start3A_55 : memref<1x512xf32, #tpu.memory_space<vmem>> -> memref<512xf32, #tpu.memory_space<vmem>>
    %dma_start3A_57 = arith.constant 0 : i32
    %dma_start3A_58 = tpu.memref_slice %arg11[%dma_start3A_52, %dma_start3A_57] : memref<16x512xi32, #tpu.memory_space<vmem>> -> memref<1x512xi32, #tpu.memory_space<vmem>>
    %dma_start3A_59 = tpu.memref_squeeze %dma_start3A_58 : memref<1x512xi32, #tpu.memory_space<vmem>> -> memref<512xi32, #tpu.memory_space<vmem>>
    %dma_start3A_60 = arith.constant 0 : i32
    %dma_start3A_61 = tpu.memref_slice %arg5[%dma_start3A_51, %dma_start3A_60] : memref<16x100000xf32, #tpu.memory_space<hbm>> -> memref<1x100000xf32, #tpu.memory_space<hbm>>
    %dma_start3A_62 = tpu.memref_squeeze %dma_start3A_61 : memref<1x100000xf32, #tpu.memory_space<hbm>> -> memref<100000xf32, #tpu.memory_space<hbm>>
    %dma_start3A_63 = arith.constant 0 : i32
    %dma_start3A_64 = tpu.memref_slice %dma_start3A_62[%dma_start3A_63] : memref<100000xf32, #tpu.memory_space<hbm>> -> memref<100000xf32, #tpu.memory_space<hbm>>
    tpu.enqueue_indirect_dma source(%dma_start3A_64 : memref<100000xf32, #tpu.memory_space<hbm>>) target(%dma_start3A_56 : memref<512xf32, #tpu.memory_space<vmem>>) offsets(%dma_start3A_59 : memref<512xi32, #tpu.memory_space<vmem>>) semaphore(%arg16 : memref<!tpu.dma_semaphore, #tpu.memory_space<semaphore_mem>>)
    %dma_start3A_65 = arith.constant 0 : i32
    %dma_start3A_66 = arith.constant 2 : i32
    %dma_start3A_67 = arith.constant 2 : i32
    %dma_start3A_68 = arith.constant 0 : i32
    %dma_start3A_69 = tpu.memref_slice %arg12[%dma_start3A_67, %dma_start3A_68] : memref<16x512xf32, #tpu.memory_space<vmem>> -> memref<1x512xf32, #tpu.memory_space<vmem>>
    %dma_start3A_70 = tpu.memref_squeeze %dma_start3A_69 : memref<1x512xf32, #tpu.memory_space<vmem>> -> memref<512xf32, #tpu.memory_space<vmem>>
    %dma_start3A_71 = arith.constant 0 : i32
    %dma_start3A_72 = tpu.memref_slice %arg10[%dma_start3A_66, %dma_start3A_71] : memref<16x512xi32, #tpu.memory_space<vmem>> -> memref<1x512xi32, #tpu.memory_space<vmem>>
    %dma_start3A_73 = tpu.memref_squeeze %dma_start3A_72 : memref<1x512xi32, #tpu.memory_space<vmem>> -> memref<512xi32, #tpu.memory_space<vmem>>
    %dma_start3A_74 = arith.constant 0 : i32
    %dma_start3A_75 = tpu.memref_slice %arg4[%dma_start3A_65, %dma_start3A_74] : memref<16x1000000xf32, #tpu.memory_space<hbm>> -> memref<1x1000000xf32, #tpu.memory_space<hbm>>
    %dma_start3A_76 = tpu.memref_squeeze %dma_start3A_75 : memref<1x1000000xf32, #tpu.memory_space<hbm>> -> memref<1000000xf32, #tpu.memory_space<hbm>>
    %dma_start3A_77 = arith.constant 0 : i32
    %dma_start3A_78 = tpu.memref_slice %dma_start3A_76[%dma_start3A_77] : memref<1000000xf32, #tpu.memory_space<hbm>> -> memref<1000000xf32, #tpu.memory_space<hbm>>
    tpu.enqueue_indirect_dma source(%dma_start3A_78 : memref<1000000xf32, #tpu.memory_space<hbm>>) target(%dma_start3A_70 : memref<512xf32, #tpu.memory_space<vmem>>) offsets(%dma_start3A_73 : memref<512xi32, #tpu.memory_space<vmem>>) semaphore(%arg16 : memref<!tpu.dma_semaphore, #tpu.memory_space<semaphore_mem>>)
    %dma_start3A_79 = arith.constant 0 : i32
    %dma_start3A_80 = arith.constant 2 : i32
    %dma_start3A_81 = arith.constant 2 : i32
    %dma_start3A_82 = arith.constant 0 : i32
    %dma_start3A_83 = tpu.memref_slice %arg13[%dma_start3A_81, %dma_start3A_82] : memref<16x512xf32, #tpu.memory_space<vmem>> -> memref<1x512xf32, #tpu.memory_space<vmem>>
    %dma_start3A_84 = tpu.memref_squeeze %dma_start3A_83 : memref<1x512xf32, #tpu.memory_space<vmem>> -> memref<512xf32, #tpu.memory_space<vmem>>
    %dma_start3A_85 = arith.constant 0 : i32
    %dma_start3A_86 = tpu.memref_slice %arg11[%dma_start3A_80, %dma_start3A_85] : memref<16x512xi32, #tpu.memory_space<vmem>> -> memref<1x512xi32, #tpu.memory_space<vmem>>
    %dma_start3A_87 = tpu.memref_squeeze %dma_start3A_86 : memref<1x512xi32, #tpu.memory_space<vmem>> -> memref<512xi32, #tpu.memory_space<vmem>>
    %dma_start3A_88 = arith.constant 0 : i32
    %dma_start3A_89 = tpu.memref_slice %arg5[%dma_start3A_79, %dma_start3A_88] : memref<16x100000xf32, #tpu.memory_space<hbm>> -> memref<1x100000xf32, #tpu.memory_space<hbm>>
    %dma_start3A_90 = tpu.memref_squeeze %dma_start3A_89 : memref<1x100000xf32, #tpu.memory_space<hbm>> -> memref<100000xf32, #tpu.memory_space<hbm>>
    %dma_start3A_91 = arith.constant 0 : i32
    %dma_start3A_92 = tpu.memref_slice %dma_start3A_90[%dma_start3A_91] : memref<100000xf32, #tpu.memory_space<hbm>> -> memref<100000xf32, #tpu.memory_space<hbm>>
    tpu.enqueue_indirect_dma source(%dma_start3A_92 : memref<100000xf32, #tpu.memory_space<hbm>>) target(%dma_start3A_84 : memref<512xf32, #tpu.memory_space<vmem>>) offsets(%dma_start3A_87 : memref<512xi32, #tpu.memory_space<vmem>>) semaphore(%arg16 : memref<!tpu.dma_semaphore, #tpu.memory_space<semaphore_mem>>)
    %dma_start3A_93 = arith.constant 0 : i32
    %dma_start3A_94 = arith.constant 3 : i32
    %dma_start3A_95 = arith.constant 3 : i32
    %dma_start3A_96 = arith.constant 0 : i32
    %dma_start3A_97 = tpu.memref_slice %arg12[%dma_start3A_95, %dma_start3A_96] : memref<16x512xf32, #tpu.memory_space<vmem>> -> memref<1x512xf32, #tpu.memory_space<vmem>>
    %dma_start3A_98 = tpu.memref_squeeze %dma_start3A_97 : memref<1x512xf32, #tpu.memory_space<vmem>> -> memref<512xf32, #tpu.memory_space<vmem>>
    %dma_start3A_99 = arith.constant 0 : i32
    %dma_start3A_100 = tpu.memref_slice %arg10[%dma_start3A_94, %dma_start3A_99] : memref<16x512xi32, #tpu.memory_space<vmem>> -> memref<1x512xi32, #tpu.memory_space<vmem>>
    %dma_start3A_101 = tpu.memref_squeeze %dma_start3A_100 : memref<1x512xi32, #tpu.memory_space<vmem>> -> memref<512xi32, #tpu.memory_space<vmem>>
    %dma_start3A_102 = arith.constant 0 : i32
    %dma_start3A_103 = tpu.memref_slice %arg4[%dma_start3A_93, %dma_start3A_102] : memref<16x1000000xf32, #tpu.memory_space<hbm>> -> memref<1x1000000xf32, #tpu.memory_space<hbm>>
    %dma_start3A_104 = tpu.memref_squeeze %dma_start3A_103 : memref<1x1000000xf32, #tpu.memory_space<hbm>> -> memref<1000000xf32, #tpu.memory_space<hbm>>
    %dma_start3A_105 = arith.constant 0 : i32
    %dma_start3A_106 = tpu.memref_slice %dma_start3A_104[%dma_start3A_105] : memref<1000000xf32, #tpu.memory_space<hbm>> -> memref<1000000xf32, #tpu.memory_space<hbm>>
    tpu.enqueue_indirect_dma source(%dma_start3A_106 : memref<1000000xf32, #tpu.memory_space<hbm>>) target(%dma_start3A_98 : memref<512xf32, #tpu.memory_space<vmem>>) offsets(%dma_start3A_101 : memref<512xi32, #tpu.memory_space<vmem>>) semaphore(%arg16 : memref<!tpu.dma_semaphore, #tpu.memory_space<semaphore_mem>>)
    %dma_start3A_107 = arith.constant 0 : i32
    %dma_start3A_108 = arith.constant 3 : i32
    %dma_start3A_109 = arith.constant 3 : i32
    %dma_start3A_110 = arith.constant 0 : i32
    %dma_start3A_111 = tpu.memref_slice %arg13[%dma_start3A_109, %dma_start3A_110] : memref<16x512xf32, #tpu.memory_space<vmem>> -> memref<1x512xf32, #tpu.memory_space<vmem>>
    %dma_start3A_112 = tpu.memref_squeeze %dma_start3A_111 : memref<1x512xf32, #tpu.memory_space<vmem>> -> memref<512xf32, #tpu.memory_space<vmem>>
    %dma_start3A_113 = arith.constant 0 : i32
    %dma_start3A_114 = tpu.memref_slice %arg11[%dma_start3A_108, %dma_start3A_113] : memref<16x512xi32, #tpu.memory_space<vmem>> -> memref<1x512xi32, #tpu.memory_space<vmem>>
    %dma_start3A_115 = tpu.memref_squeeze %dma_start3A_114 : memref<1x512xi32, #tpu.memory_space<vmem>> -> memref<512xi32, #tpu.memory_space<vmem>>
    %dma_start3A_116 = arith.constant 0 : i32
    %dma_start3A_117 = tpu.memref_slice %arg5[%dma_start3A_107, %dma_start3A_116] : memref<16x100000xf32, #tpu.memory_space<hbm>> -> memref<1x100000xf32, #tpu.memory_space<hbm>>
    %dma_start3A_118 = tpu.memref_squeeze %dma_start3A_117 : memref<1x100000xf32, #tpu.memory_space<hbm>> -> memref<100000xf32, #tpu.memory_space<hbm>>
    %dma_start3A_119 = arith.constant 0 : i32
    %dma_start3A_120 = tpu.memref_slice %dma_start3A_118[%dma_start3A_119] : memref<100000xf32, #tpu.memory_space<hbm>> -> memref<100000xf32, #tpu.memory_space<hbm>>
    tpu.enqueue_indirect_dma source(%dma_start3A_120 : memref<100000xf32, #tpu.memory_space<hbm>>) target(%dma_start3A_112 : memref<512xf32, #tpu.memory_space<vmem>>) offsets(%dma_start3A_115 : memref<512xi32, #tpu.memory_space<vmem>>) semaphore(%arg16 : memref<!tpu.dma_semaphore, #tpu.memory_space<semaphore_mem>>)
    %dma_start3A_121 = arith.constant 0 : i32
    %dma_start3A_122 = arith.constant 4 : i32
    %dma_start3A_123 = arith.constant 4 : i32
    %dma_start3A_124 = arith.constant 0 : i32
    %dma_start3A_125 = tpu.memref_slice %arg12[%dma_start3A_123, %dma_start3A_124] : memref<16x512xf32, #tpu.memory_space<vmem>> -> memref<1x512xf32, #tpu.memory_space<vmem>>
    %dma_start3A_126 = tpu.memref_squeeze %dma_start3A_125 : memref<1x512xf32, #tpu.memory_space<vmem>> -> memref<512xf32, #tpu.memory_space<vmem>>
    %dma_start3A_127 = arith.constant 0 : i32
    %dma_start3A_128 = tpu.memref_slice %arg10[%dma_start3A_122, %dma_start3A_127] : memref<16x512xi32, #tpu.memory_space<vmem>> -> memref<1x512xi32, #tpu.memory_space<vmem>>
    %dma_start3A_129 = tpu.memref_squeeze %dma_start3A_128 : memref<1x512xi32, #tpu.memory_space<vmem>> -> memref<512xi32, #tpu.memory_space<vmem>>
    %dma_start3A_130 = arith.constant 0 : i32
    %dma_start3A_131 = tpu.memref_slice %arg4[%dma_start3A_121, %dma_start3A_130] : memref<16x1000000xf32, #tpu.memory_space<hbm>> -> memref<1x1000000xf32, #tpu.memory_space<hbm>>
    %dma_start3A_132 = tpu.memref_squeeze %dma_start3A_131 : memref<1x1000000xf32, #tpu.memory_space<hbm>> -> memref<1000000xf32, #tpu.memory_space<hbm>>
    %dma_start3A_133 = arith.constant 0 : i32
    %dma_start3A_134 = tpu.memref_slice %dma_start3A_132[%dma_start3A_133] : memref<1000000xf32, #tpu.memory_space<hbm>> -> memref<1000000xf32, #tpu.memory_space<hbm>>
    tpu.enqueue_indirect_dma source(%dma_start3A_134 : memref<1000000xf32, #tpu.memory_space<hbm>>) target(%dma_start3A_126 : memref<512xf32, #tpu.memory_space<vmem>>) offsets(%dma_start3A_129 : memref<512xi32, #tpu.memory_space<vmem>>) semaphore(%arg16 : memref<!tpu.dma_semaphore, #tpu.memory_space<semaphore_mem>>)
    %dma_start3A_135 = arith.constant 0 : i32
    %dma_start3A_136 = arith.constant 4 : i32
    %dma_start3A_137 = arith.constant 4 : i32
    %dma_start3A_138 = arith.constant 0 : i32
    %dma_start3A_139 = tpu.memref_slice %arg13[%dma_start3A_137, %dma_start3A_138] : memref<16x512xf32, #tpu.memory_space<vmem>> -> memref<1x512xf32, #tpu.memory_space<vmem>>
    %dma_start3A_140 = tpu.memref_squeeze %dma_start3A_139 : memref<1x512xf32, #tpu.memory_space<vmem>> -> memref<512xf32, #tpu.memory_space<vmem>>
    %dma_start3A_141 = arith.constant 0 : i32
    %dma_start3A_142 = tpu.memref_slice %arg11[%dma_start3A_136, %dma_start3A_141] : memref<16x512xi32, #tpu.memory_space<vmem>> -> memref<1x512xi32, #tpu.memory_space<vmem>>
    %dma_start3A_143 = tpu.memref_squeeze %dma_start3A_142 : memref<1x512xi32, #tpu.memory_space<vmem>> -> memref<512xi32, #tpu.memory_space<vmem>>
    %dma_start3A_144 = arith.constant 0 : i32
    %dma_start3A_145 = tpu.memref_slice %arg5[%dma_start3A_135, %dma_start3A_144] : memref<16x100000xf32, #tpu.memory_space<hbm>> -> memref<1x100000xf32, #tpu.memory_space<hbm>>
    %dma_start3A_146 = tpu.memref_squeeze %dma_start3A_145 : memref<1x100000xf32, #tpu.memory_space<hbm>> -> memref<100000xf32, #tpu.memory_space<hbm>>
    %dma_start3A_147 = arith.constant 0 : i32
    %dma_start3A_148 = tpu.memref_slice %dma_start3A_146[%dma_start3A_147] : memref<100000xf32, #tpu.memory_space<hbm>> -> memref<100000xf32, #tpu.memory_space<hbm>>
    tpu.enqueue_indirect_dma source(%dma_start3A_148 : memref<100000xf32, #tpu.memory_space<hbm>>) target(%dma_start3A_140 : memref<512xf32, #tpu.memory_space<vmem>>) offsets(%dma_start3A_143 : memref<512xi32, #tpu.memory_space<vmem>>) semaphore(%arg16 : memref<!tpu.dma_semaphore, #tpu.memory_space<semaphore_mem>>)
    %dma_start3A_149 = arith.constant 0 : i32
    %dma_start3A_150 = arith.constant 5 : i32
    %dma_start3A_151 = arith.constant 5 : i32
    %dma_start3A_152 = arith.constant 0 : i32
    %dma_start3A_153 = tpu.memref_slice %arg12[%dma_start3A_151, %dma_start3A_152] : memref<16x512xf32, #tpu.memory_space<vmem>> -> memref<1x512xf32, #tpu.memory_space<vmem>>
    %dma_start3A_154 = tpu.memref_squeeze %dma_start3A_153 : memref<1x512xf32, #tpu.memory_space<vmem>> -> memref<512xf32, #tpu.memory_space<vmem>>
    %dma_start3A_155 = arith.constant 0 : i32
    %dma_start3A_156 = tpu.memref_slice %arg10[%dma_start3A_150, %dma_start3A_155] : memref<16x512xi32, #tpu.memory_space<vmem>> -> memref<1x512xi32, #tpu.memory_space<vmem>>
    %dma_start3A_157 = tpu.memref_squeeze %dma_start3A_156 : memref<1x512xi32, #tpu.memory_space<vmem>> -> memref<512xi32, #tpu.memory_space<vmem>>
    %dma_start3A_158 = arith.constant 0 : i32
    %dma_start3A_159 = tpu.memref_slice %arg4[%dma_start3A_149, %dma_start3A_158] : memref<16x1000000xf32, #tpu.memory_space<hbm>> -> memref<1x1000000xf32, #tpu.memory_space<hbm>>
    %dma_start3A_160 = tpu.memref_squeeze %dma_start3A_159 : memref<1x1000000xf32, #tpu.memory_space<hbm>> -> memref<1000000xf32, #tpu.memory_space<hbm>>
    %dma_start3A_161 = arith.constant 0 : i32
    %dma_start3A_162 = tpu.memref_slice %dma_start3A_160[%dma_start3A_161] : memref<1000000xf32, #tpu.memory_space<hbm>> -> memref<1000000xf32, #tpu.memory_space<hbm>>
    tpu.enqueue_indirect_dma source(%dma_start3A_162 : memref<1000000xf32, #tpu.memory_space<hbm>>) target(%dma_start3A_154 : memref<512xf32, #tpu.memory_space<vmem>>) offsets(%dma_start3A_157 : memref<512xi32, #tpu.memory_space<vmem>>) semaphore(%arg16 : memref<!tpu.dma_semaphore, #tpu.memory_space<semaphore_mem>>)
    %dma_start3A_163 = arith.constant 0 : i32
    %dma_start3A_164 = arith.constant 5 : i32
    %dma_start3A_165 = arith.constant 5 : i32
    %dma_start3A_166 = arith.constant 0 : i32
    %dma_start3A_167 = tpu.memref_slice %arg13[%dma_start3A_165, %dma_start3A_166] : memref<16x512xf32, #tpu.memory_space<vmem>> -> memref<1x512xf32, #tpu.memory_space<vmem>>
    %dma_start3A_168 = tpu.memref_squeeze %dma_start3A_167 : memref<1x512xf32, #tpu.memory_space<vmem>> -> memref<512xf32, #tpu.memory_space<vmem>>
    %dma_start3A_169 = arith.constant 0 : i32
    %dma_start3A_170 = tpu.memref_slice %arg11[%dma_start3A_164, %dma_start3A_169] : memref<16x512xi32, #tpu.memory_space<vmem>> -> memref<1x512xi32, #tpu.memory_space<vmem>>
    %dma_start3A_171 = tpu.memref_squeeze %dma_start3A_170 : memref<1x512xi32, #tpu.memory_space<vmem>> -> memref<512xi32, #tpu.memory_space<vmem>>
    %dma_start3A_172 = arith.constant 0 : i32
    %dma_start3A_173 = tpu.memref_slice %arg5[%dma_start3A_163, %dma_start3A_172] : memref<16x100000xf32, #tpu.memory_space<hbm>> -> memref<1x100000xf32, #tpu.memory_space<hbm>>
    %dma_start3A_174 = tpu.memref_squeeze %dma_start3A_173 : memref<1x100000xf32, #tpu.memory_space<hbm>> -> memref<100000xf32, #tpu.memory_space<hbm>>
    %dma_start3A_175 = arith.constant 0 : i32
    %dma_start3A_176 = tpu.memref_slice %dma_start3A_174[%dma_start3A_175] : memref<100000xf32, #tpu.memory_space<hbm>> -> memref<100000xf32, #tpu.memory_space<hbm>>
    tpu.enqueue_indirect_dma source(%dma_start3A_176 : memref<100000xf32, #tpu.memory_space<hbm>>) target(%dma_start3A_168 : memref<512xf32, #tpu.memory_space<vmem>>) offsets(%dma_start3A_171 : memref<512xi32, #tpu.memory_space<vmem>>) semaphore(%arg16 : memref<!tpu.dma_semaphore, #tpu.memory_space<semaphore_mem>>)
    %dma_start3A_177 = arith.constant 0 : i32
    %dma_start3A_178 = arith.constant 6 : i32
    %dma_start3A_179 = arith.constant 6 : i32
    %dma_start3A_180 = arith.constant 0 : i32
    %dma_start3A_181 = tpu.memref_slice %arg12[%dma_start3A_179, %dma_start3A_180] : memref<16x512xf32, #tpu.memory_space<vmem>> -> memref<1x512xf32, #tpu.memory_space<vmem>>
    %dma_start3A_182 = tpu.memref_squeeze %dma_start3A_181 : memref<1x512xf32, #tpu.memory_space<vmem>> -> memref<512xf32, #tpu.memory_space<vmem>>
    %dma_start3A_183 = arith.constant 0 : i32
    %dma_start3A_184 = tpu.memref_slice %arg10[%dma_start3A_178, %dma_start3A_183] : memref<16x512xi32, #tpu.memory_space<vmem>> -> memref<1x512xi32, #tpu.memory_space<vmem>>
    %dma_start3A_185 = tpu.memref_squeeze %dma_start3A_184 : memref<1x512xi32, #tpu.memory_space<vmem>> -> memref<512xi32, #tpu.memory_space<vmem>>
    %dma_start3A_186 = arith.constant 0 : i32
    %dma_start3A_187 = tpu.memref_slice %arg4[%dma_start3A_177, %dma_start3A_186] : memref<16x1000000xf32, #tpu.memory_space<hbm>> -> memref<1x1000000xf32, #tpu.memory_space<hbm>>
    %dma_start3A_188 = tpu.memref_squeeze %dma_start3A_187 : memref<1x1000000xf32, #tpu.memory_space<hbm>> -> memref<1000000xf32, #tpu.memory_space<hbm>>
    %dma_start3A_189 = arith.constant 0 : i32
    %dma_start3A_190 = tpu.memref_slice %dma_start3A_188[%dma_start3A_189] : memref<1000000xf32, #tpu.memory_space<hbm>> -> memref<1000000xf32, #tpu.memory_space<hbm>>
    tpu.enqueue_indirect_dma source(%dma_start3A_190 : memref<1000000xf32, #tpu.memory_space<hbm>>) target(%dma_start3A_182 : memref<512xf32, #tpu.memory_space<vmem>>) offsets(%dma_start3A_185 : memref<512xi32, #tpu.memory_space<vmem>>) semaphore(%arg16 : memref<!tpu.dma_semaphore, #tpu.memory_space<semaphore_mem>>)
    %dma_start3A_191 = arith.constant 0 : i32
    %dma_start3A_192 = arith.constant 6 : i32
    %dma_start3A_193 = arith.constant 6 : i32
    %dma_start3A_194 = arith.constant 0 : i32
    %dma_start3A_195 = tpu.memref_slice %arg13[%dma_start3A_193, %dma_start3A_194] : memref<16x512xf32, #tpu.memory_space<vmem>> -> memref<1x512xf32, #tpu.memory_space<vmem>>
    %dma_start3A_196 = tpu.memref_squeeze %dma_start3A_195 : memref<1x512xf32, #tpu.memory_space<vmem>> -> memref<512xf32, #tpu.memory_space<vmem>>
    %dma_start3A_197 = arith.constant 0 : i32
    %dma_start3A_198 = tpu.memref_slice %arg11[%dma_start3A_192, %dma_start3A_197] : memref<16x512xi32, #tpu.memory_space<vmem>> -> memref<1x512xi32, #tpu.memory_space<vmem>>
    %dma_start3A_199 = tpu.memref_squeeze %dma_start3A_198 : memref<1x512xi32, #tpu.memory_space<vmem>> -> memref<512xi32, #tpu.memory_space<vmem>>
    %dma_start3A_200 = arith.constant 0 : i32
    %dma_start3A_201 = tpu.memref_slice %arg5[%dma_start3A_191, %dma_start3A_200] : memref<16x100000xf32, #tpu.memory_space<hbm>> -> memref<1x100000xf32, #tpu.memory_space<hbm>>
    %dma_start3A_202 = tpu.memref_squeeze %dma_start3A_201 : memref<1x100000xf32, #tpu.memory_space<hbm>> -> memref<100000xf32, #tpu.memory_space<hbm>>
    %dma_start3A_203 = arith.constant 0 : i32
    %dma_start3A_204 = tpu.memref_slice %dma_start3A_202[%dma_start3A_203] : memref<100000xf32, #tpu.memory_space<hbm>> -> memref<100000xf32, #tpu.memory_space<hbm>>
    tpu.enqueue_indirect_dma source(%dma_start3A_204 : memref<100000xf32, #tpu.memory_space<hbm>>) target(%dma_start3A_196 : memref<512xf32, #tpu.memory_space<vmem>>) offsets(%dma_start3A_199 : memref<512xi32, #tpu.memory_space<vmem>>) semaphore(%arg16 : memref<!tpu.dma_semaphore, #tpu.memory_space<semaphore_mem>>)
    %dma_start3A_205 = arith.constant 0 : i32
    %dma_start3A_206 = arith.constant 7 : i32
    %dma_start3A_207 = arith.constant 7 : i32
    %dma_start3A_208 = arith.constant 0 : i32
    %dma_start3A_209 = tpu.memref_slice %arg12[%dma_start3A_207, %dma_start3A_208] : memref<16x512xf32, #tpu.memory_space<vmem>> -> memref<1x512xf32, #tpu.memory_space<vmem>>
    %dma_start3A_210 = tpu.memref_squeeze %dma_start3A_209 : memref<1x512xf32, #tpu.memory_space<vmem>> -> memref<512xf32, #tpu.memory_space<vmem>>
    %dma_start3A_211 = arith.constant 0 : i32
    %dma_start3A_212 = tpu.memref_slice %arg10[%dma_start3A_206, %dma_start3A_211] : memref<16x512xi32, #tpu.memory_space<vmem>> -> memref<1x512xi32, #tpu.memory_space<vmem>>
    %dma_start3A_213 = tpu.memref_squeeze %dma_start3A_212 : memref<1x512xi32, #tpu.memory_space<vmem>> -> memref<512xi32, #tpu.memory_space<vmem>>
    %dma_start3A_214 = arith.constant 0 : i32
    %dma_start3A_215 = tpu.memref_slice %arg4[%dma_start3A_205, %dma_start3A_214] : memref<16x1000000xf32, #tpu.memory_space<hbm>> -> memref<1x1000000xf32, #tpu.memory_space<hbm>>
    %dma_start3A_216 = tpu.memref_squeeze %dma_start3A_215 : memref<1x1000000xf32, #tpu.memory_space<hbm>> -> memref<1000000xf32, #tpu.memory_space<hbm>>
    %dma_start3A_217 = arith.constant 0 : i32
    %dma_start3A_218 = tpu.memref_slice %dma_start3A_216[%dma_start3A_217] : memref<1000000xf32, #tpu.memory_space<hbm>> -> memref<1000000xf32, #tpu.memory_space<hbm>>
    tpu.enqueue_indirect_dma source(%dma_start3A_218 : memref<1000000xf32, #tpu.memory_space<hbm>>) target(%dma_start3A_210 : memref<512xf32, #tpu.memory_space<vmem>>) offsets(%dma_start3A_213 : memref<512xi32, #tpu.memory_space<vmem>>) semaphore(%arg16 : memref<!tpu.dma_semaphore, #tpu.memory_space<semaphore_mem>>)
    %dma_start3A_219 = arith.constant 0 : i32
    %dma_start3A_220 = arith.constant 7 : i32
    %dma_start3A_221 = arith.constant 7 : i32
    %dma_start3A_222 = arith.constant 0 : i32
    %dma_start3A_223 = tpu.memref_slice %arg13[%dma_start3A_221, %dma_start3A_222] : memref<16x512xf32, #tpu.memory_space<vmem>> -> memref<1x512xf32, #tpu.memory_space<vmem>>
    %dma_start3A_224 = tpu.memref_squeeze %dma_start3A_223 : memref<1x512xf32, #tpu.memory_space<vmem>> -> memref<512xf32, #tpu.memory_space<vmem>>
    %dma_start3A_225 = arith.constant 0 : i32
    %dma_start3A_226 = tpu.memref_slice %arg11[%dma_start3A_220, %dma_start3A_225] : memref<16x512xi32, #tpu.memory_space<vmem>> -> memref<1x512xi32, #tpu.memory_space<vmem>>
    %dma_start3A_227 = tpu.memref_squeeze %dma_start3A_226 : memref<1x512xi32, #tpu.memory_space<vmem>> -> memref<512xi32, #tpu.memory_space<vmem>>
    %dma_start3A_228 = arith.constant 0 : i32
    %dma_start3A_229 = tpu.memref_slice %arg5[%dma_start3A_219, %dma_start3A_228] : memref<16x100000xf32, #tpu.memory_space<hbm>> -> memref<1x100000xf32, #tpu.memory_space<hbm>>
    %dma_start3A_230 = tpu.memref_squeeze %dma_start3A_229 : memref<1x100000xf32, #tpu.memory_space<hbm>> -> memref<100000xf32, #tpu.memory_space<hbm>>
    %dma_start3A_231 = arith.constant 0 : i32
    %dma_start3A_232 = tpu.memref_slice %dma_start3A_230[%dma_start3A_231] : memref<100000xf32, #tpu.memory_space<hbm>> -> memref<100000xf32, #tpu.memory_space<hbm>>
    tpu.enqueue_indirect_dma source(%dma_start3A_232 : memref<100000xf32, #tpu.memory_space<hbm>>) target(%dma_start3A_224 : memref<512xf32, #tpu.memory_space<vmem>>) offsets(%dma_start3A_227 : memref<512xi32, #tpu.memory_space<vmem>>) semaphore(%arg16 : memref<!tpu.dma_semaphore, #tpu.memory_space<semaphore_mem>>)
    %dma_start3A_233 = arith.constant 0 : i32
    %dma_start3A_234 = arith.constant 8 : i32
    %dma_start3A_235 = arith.constant 8 : i32
    %dma_start3A_236 = arith.constant 0 : i32
    %dma_start3A_237 = tpu.memref_slice %arg12[%dma_start3A_235, %dma_start3A_236] : memref<16x512xf32, #tpu.memory_space<vmem>> -> memref<1x512xf32, #tpu.memory_space<vmem>>
    %dma_start3A_238 = tpu.memref_squeeze %dma_start3A_237 : memref<1x512xf32, #tpu.memory_space<vmem>> -> memref<512xf32, #tpu.memory_space<vmem>>
    %dma_start3A_239 = arith.constant 0 : i32
    %dma_start3A_240 = tpu.memref_slice %arg10[%dma_start3A_234, %dma_start3A_239] : memref<16x512xi32, #tpu.memory_space<vmem>> -> memref<1x512xi32, #tpu.memory_space<vmem>>
    %dma_start3A_241 = tpu.memref_squeeze %dma_start3A_240 : memref<1x512xi32, #tpu.memory_space<vmem>> -> memref<512xi32, #tpu.memory_space<vmem>>
    %dma_start3A_242 = arith.constant 0 : i32
    %dma_start3A_243 = tpu.memref_slice %arg4[%dma_start3A_233, %dma_start3A_242] : memref<16x1000000xf32, #tpu.memory_space<hbm>> -> memref<1x1000000xf32, #tpu.memory_space<hbm>>
    %dma_start3A_244 = tpu.memref_squeeze %dma_start3A_243 : memref<1x1000000xf32, #tpu.memory_space<hbm>> -> memref<1000000xf32, #tpu.memory_space<hbm>>
    %dma_start3A_245 = arith.constant 0 : i32
    %dma_start3A_246 = tpu.memref_slice %dma_start3A_244[%dma_start3A_245] : memref<1000000xf32, #tpu.memory_space<hbm>> -> memref<1000000xf32, #tpu.memory_space<hbm>>
    tpu.enqueue_indirect_dma source(%dma_start3A_246 : memref<1000000xf32, #tpu.memory_space<hbm>>) target(%dma_start3A_238 : memref<512xf32, #tpu.memory_space<vmem>>) offsets(%dma_start3A_241 : memref<512xi32, #tpu.memory_space<vmem>>) semaphore(%arg16 : memref<!tpu.dma_semaphore, #tpu.memory_space<semaphore_mem>>)
    %dma_start3A_247 = arith.constant 0 : i32
    %dma_start3A_248 = arith.constant 8 : i32
    %dma_start3A_249 = arith.constant 8 : i32
    %dma_start3A_250 = arith.constant 0 : i32
    %dma_start3A_251 = tpu.memref_slice %arg13[%dma_start3A_249, %dma_start3A_250] : memref<16x512xf32, #tpu.memory_space<vmem>> -> memref<1x512xf32, #tpu.memory_space<vmem>>
    %dma_start3A_252 = tpu.memref_squeeze %dma_start3A_251 : memref<1x512xf32, #tpu.memory_space<vmem>> -> memref<512xf32, #tpu.memory_space<vmem>>
    %dma_start3A_253 = arith.constant 0 : i32
    %dma_start3A_254 = tpu.memref_slice %arg11[%dma_start3A_248, %dma_start3A_253] : memref<16x512xi32, #tpu.memory_space<vmem>> -> memref<1x512xi32, #tpu.memory_space<vmem>>
    %dma_start3A_255 = tpu.memref_squeeze %dma_start3A_254 : memref<1x512xi32, #tpu.memory_space<vmem>> -> memref<512xi32, #tpu.memory_space<vmem>>
    %dma_start3A_256 = arith.constant 0 : i32
    %dma_start3A_257 = tpu.memref_slice %arg5[%dma_start3A_247, %dma_start3A_256] : memref<16x100000xf32, #tpu.memory_space<hbm>> -> memref<1x100000xf32, #tpu.memory_space<hbm>>
    %dma_start3A_258 = tpu.memref_squeeze %dma_start3A_257 : memref<1x100000xf32, #tpu.memory_space<hbm>> -> memref<100000xf32, #tpu.memory_space<hbm>>
    %dma_start3A_259 = arith.constant 0 : i32
    %dma_start3A_260 = tpu.memref_slice %dma_start3A_258[%dma_start3A_259] : memref<100000xf32, #tpu.memory_space<hbm>> -> memref<100000xf32, #tpu.memory_space<hbm>>
    tpu.enqueue_indirect_dma source(%dma_start3A_260 : memref<100000xf32, #tpu.memory_space<hbm>>) target(%dma_start3A_252 : memref<512xf32, #tpu.memory_space<vmem>>) offsets(%dma_start3A_255 : memref<512xi32, #tpu.memory_space<vmem>>) semaphore(%arg16 : memref<!tpu.dma_semaphore, #tpu.memory_space<semaphore_mem>>)
    %dma_start3A_261 = arith.constant 0 : i32
    %dma_start3A_262 = arith.constant 9 : i32
    %dma_start3A_263 = arith.constant 9 : i32
    %dma_start3A_264 = arith.constant 0 : i32
    %dma_start3A_265 = tpu.memref_slice %arg12[%dma_start3A_263, %dma_start3A_264] : memref<16x512xf32, #tpu.memory_space<vmem>> -> memref<1x512xf32, #tpu.memory_space<vmem>>
    %dma_start3A_266 = tpu.memref_squeeze %dma_start3A_265 : memref<1x512xf32, #tpu.memory_space<vmem>> -> memref<512xf32, #tpu.memory_space<vmem>>
    %dma_start3A_267 = arith.constant 0 : i32
    %dma_start3A_268 = tpu.memref_slice %arg10[%dma_start3A_262, %dma_start3A_267] : memref<16x512xi32, #tpu.memory_space<vmem>> -> memref<1x512xi32, #tpu.memory_space<vmem>>
    %dma_start3A_269 = tpu.memref_squeeze %dma_start3A_268 : memref<1x512xi32, #tpu.memory_space<vmem>> -> memref<512xi32, #tpu.memory_space<vmem>>
    %dma_start3A_270 = arith.constant 0 : i32
    %dma_start3A_271 = tpu.memref_slice %arg4[%dma_start3A_261, %dma_start3A_270] : memref<16x1000000xf32, #tpu.memory_space<hbm>> -> memref<1x1000000xf32, #tpu.memory_space<hbm>>
    %dma_start3A_272 = tpu.memref_squeeze %dma_start3A_271 : memref<1x1000000xf32, #tpu.memory_space<hbm>> -> memref<1000000xf32, #tpu.memory_space<hbm>>
    %dma_start3A_273 = arith.constant 0 : i32
    %dma_start3A_274 = tpu.memref_slice %dma_start3A_272[%dma_start3A_273] : memref<1000000xf32, #tpu.memory_space<hbm>> -> memref<1000000xf32, #tpu.memory_space<hbm>>
    tpu.enqueue_indirect_dma source(%dma_start3A_274 : memref<1000000xf32, #tpu.memory_space<hbm>>) target(%dma_start3A_266 : memref<512xf32, #tpu.memory_space<vmem>>) offsets(%dma_start3A_269 : memref<512xi32, #tpu.memory_space<vmem>>) semaphore(%arg16 : memref<!tpu.dma_semaphore, #tpu.memory_space<semaphore_mem>>)
    %dma_start3A_275 = arith.constant 0 : i32
    %dma_start3A_276 = arith.constant 9 : i32
    %dma_start3A_277 = arith.constant 9 : i32
    %dma_start3A_278 = arith.constant 0 : i32
    %dma_start3A_279 = tpu.memref_slice %arg13[%dma_start3A_277, %dma_start3A_278] : memref<16x512xf32, #tpu.memory_space<vmem>> -> memref<1x512xf32, #tpu.memory_space<vmem>>
    %dma_start3A_280 = tpu.memref_squeeze %dma_start3A_279 : memref<1x512xf32, #tpu.memory_space<vmem>> -> memref<512xf32, #tpu.memory_space<vmem>>
    %dma_start3A_281 = arith.constant 0 : i32
    %dma_start3A_282 = tpu.memref_slice %arg11[%dma_start3A_276, %dma_start3A_281] : memref<16x512xi32, #tpu.memory_space<vmem>> -> memref<1x512xi32, #tpu.memory_space<vmem>>
    %dma_start3A_283 = tpu.memref_squeeze %dma_start3A_282 : memref<1x512xi32, #tpu.memory_space<vmem>> -> memref<512xi32, #tpu.memory_space<vmem>>
    %dma_start3A_284 = arith.constant 0 : i32
    %dma_start3A_285 = tpu.memref_slice %arg5[%dma_start3A_275, %dma_start3A_284] : memref<16x100000xf32, #tpu.memory_space<hbm>> -> memref<1x100000xf32, #tpu.memory_space<hbm>>
    %dma_start3A_286 = tpu.memref_squeeze %dma_start3A_285 : memref<1x100000xf32, #tpu.memory_space<hbm>> -> memref<100000xf32, #tpu.memory_space<hbm>>
    %dma_start3A_287 = arith.constant 0 : i32
    %dma_start3A_288 = tpu.memref_slice %dma_start3A_286[%dma_start3A_287] : memref<100000xf32, #tpu.memory_space<hbm>> -> memref<100000xf32, #tpu.memory_space<hbm>>
    tpu.enqueue_indirect_dma source(%dma_start3A_288 : memref<100000xf32, #tpu.memory_space<hbm>>) target(%dma_start3A_280 : memref<512xf32, #tpu.memory_space<vmem>>) offsets(%dma_start3A_283 : memref<512xi32, #tpu.memory_space<vmem>>) semaphore(%arg16 : memref<!tpu.dma_semaphore, #tpu.memory_space<semaphore_mem>>)
    %dma_start3A_289 = arith.constant 0 : i32
    %dma_start3A_290 = arith.constant 10 : i32
    %dma_start3A_291 = arith.constant 10 : i32
    %dma_start3A_292 = arith.constant 0 : i32
    %dma_start3A_293 = tpu.memref_slice %arg12[%dma_start3A_291, %dma_start3A_292] : memref<16x512xf32, #tpu.memory_space<vmem>> -> memref<1x512xf32, #tpu.memory_space<vmem>>
    %dma_start3A_294 = tpu.memref_squeeze %dma_start3A_293 : memref<1x512xf32, #tpu.memory_space<vmem>> -> memref<512xf32, #tpu.memory_space<vmem>>
    %dma_start3A_295 = arith.constant 0 : i32
    %dma_start3A_296 = tpu.memref_slice %arg10[%dma_start3A_290, %dma_start3A_295] : memref<16x512xi32, #tpu.memory_space<vmem>> -> memref<1x512xi32, #tpu.memory_space<vmem>>
    %dma_start3A_297 = tpu.memref_squeeze %dma_start3A_296 : memref<1x512xi32, #tpu.memory_space<vmem>> -> memref<512xi32, #tpu.memory_space<vmem>>
    %dma_start3A_298 = arith.constant 0 : i32
    %dma_start3A_299 = tpu.memref_slice %arg4[%dma_start3A_289, %dma_start3A_298] : memref<16x1000000xf32, #tpu.memory_space<hbm>> -> memref<1x1000000xf32, #tpu.memory_space<hbm>>
    %dma_start3A_300 = tpu.memref_squeeze %dma_start3A_299 : memref<1x1000000xf32, #tpu.memory_space<hbm>> -> memref<1000000xf32, #tpu.memory_space<hbm>>
    %dma_start3A_301 = arith.constant 0 : i32
    %dma_start3A_302 = tpu.memref_slice %dma_start3A_300[%dma_start3A_301] : memref<1000000xf32, #tpu.memory_space<hbm>> -> memref<1000000xf32, #tpu.memory_space<hbm>>
    tpu.enqueue_indirect_dma source(%dma_start3A_302 : memref<1000000xf32, #tpu.memory_space<hbm>>) target(%dma_start3A_294 : memref<512xf32, #tpu.memory_space<vmem>>) offsets(%dma_start3A_297 : memref<512xi32, #tpu.memory_space<vmem>>) semaphore(%arg16 : memref<!tpu.dma_semaphore, #tpu.memory_space<semaphore_mem>>)
    %dma_start3A_303 = arith.constant 0 : i32
    %dma_start3A_304 = arith.constant 10 : i32
    %dma_start3A_305 = arith.constant 10 : i32
    %dma_start3A_306 = arith.constant 0 : i32
    %dma_start3A_307 = tpu.memref_slice %arg13[%dma_start3A_305, %dma_start3A_306] : memref<16x512xf32, #tpu.memory_space<vmem>> -> memref<1x512xf32, #tpu.memory_space<vmem>>
    %dma_start3A_308 = tpu.memref_squeeze %dma_start3A_307 : memref<1x512xf32, #tpu.memory_space<vmem>> -> memref<512xf32, #tpu.memory_space<vmem>>
    %dma_start3A_309 = arith.constant 0 : i32
    %dma_start3A_310 = tpu.memref_slice %arg11[%dma_start3A_304, %dma_start3A_309] : memref<16x512xi32, #tpu.memory_space<vmem>> -> memref<1x512xi32, #tpu.memory_space<vmem>>
    %dma_start3A_311 = tpu.memref_squeeze %dma_start3A_310 : memref<1x512xi32, #tpu.memory_space<vmem>> -> memref<512xi32, #tpu.memory_space<vmem>>
    %dma_start3A_312 = arith.constant 0 : i32
    %dma_start3A_313 = tpu.memref_slice %arg5[%dma_start3A_303, %dma_start3A_312] : memref<16x100000xf32, #tpu.memory_space<hbm>> -> memref<1x100000xf32, #tpu.memory_space<hbm>>
    %dma_start3A_314 = tpu.memref_squeeze %dma_start3A_313 : memref<1x100000xf32, #tpu.memory_space<hbm>> -> memref<100000xf32, #tpu.memory_space<hbm>>
    %dma_start3A_315 = arith.constant 0 : i32
    %dma_start3A_316 = tpu.memref_slice %dma_start3A_314[%dma_start3A_315] : memref<100000xf32, #tpu.memory_space<hbm>> -> memref<100000xf32, #tpu.memory_space<hbm>>
    tpu.enqueue_indirect_dma source(%dma_start3A_316 : memref<100000xf32, #tpu.memory_space<hbm>>) target(%dma_start3A_308 : memref<512xf32, #tpu.memory_space<vmem>>) offsets(%dma_start3A_311 : memref<512xi32, #tpu.memory_space<vmem>>) semaphore(%arg16 : memref<!tpu.dma_semaphore, #tpu.memory_space<semaphore_mem>>)
    %dma_start3A_317 = arith.constant 0 : i32
    %dma_start3A_318 = arith.constant 11 : i32
    %dma_start3A_319 = arith.constant 11 : i32
    %dma_start3A_320 = arith.constant 0 : i32
    %dma_start3A_321 = tpu.memref_slice %arg12[%dma_start3A_319, %dma_start3A_320] : memref<16x512xf32, #tpu.memory_space<vmem>> -> memref<1x512xf32, #tpu.memory_space<vmem>>
    %dma_start3A_322 = tpu.memref_squeeze %dma_start3A_321 : memref<1x512xf32, #tpu.memory_space<vmem>> -> memref<512xf32, #tpu.memory_space<vmem>>
    %dma_start3A_323 = arith.constant 0 : i32
    %dma_start3A_324 = tpu.memref_slice %arg10[%dma_start3A_318, %dma_start3A_323] : memref<16x512xi32, #tpu.memory_space<vmem>> -> memref<1x512xi32, #tpu.memory_space<vmem>>
    %dma_start3A_325 = tpu.memref_squeeze %dma_start3A_324 : memref<1x512xi32, #tpu.memory_space<vmem>> -> memref<512xi32, #tpu.memory_space<vmem>>
    %dma_start3A_326 = arith.constant 0 : i32
    %dma_start3A_327 = tpu.memref_slice %arg4[%dma_start3A_317, %dma_start3A_326] : memref<16x1000000xf32, #tpu.memory_space<hbm>> -> memref<1x1000000xf32, #tpu.memory_space<hbm>>
    %dma_start3A_328 = tpu.memref_squeeze %dma_start3A_327 : memref<1x1000000xf32, #tpu.memory_space<hbm>> -> memref<1000000xf32, #tpu.memory_space<hbm>>
    %dma_start3A_329 = arith.constant 0 : i32
    %dma_start3A_330 = tpu.memref_slice %dma_start3A_328[%dma_start3A_329] : memref<1000000xf32, #tpu.memory_space<hbm>> -> memref<1000000xf32, #tpu.memory_space<hbm>>
    tpu.enqueue_indirect_dma source(%dma_start3A_330 : memref<1000000xf32, #tpu.memory_space<hbm>>) target(%dma_start3A_322 : memref<512xf32, #tpu.memory_space<vmem>>) offsets(%dma_start3A_325 : memref<512xi32, #tpu.memory_space<vmem>>) semaphore(%arg16 : memref<!tpu.dma_semaphore, #tpu.memory_space<semaphore_mem>>)
    %dma_start3A_331 = arith.constant 0 : i32
    %dma_start3A_332 = arith.constant 11 : i32
    %dma_start3A_333 = arith.constant 11 : i32
    %dma_start3A_334 = arith.constant 0 : i32
    %dma_start3A_335 = tpu.memref_slice %arg13[%dma_start3A_333, %dma_start3A_334] : memref<16x512xf32, #tpu.memory_space<vmem>> -> memref<1x512xf32, #tpu.memory_space<vmem>>
    %dma_start3A_336 = tpu.memref_squeeze %dma_start3A_335 : memref<1x512xf32, #tpu.memory_space<vmem>> -> memref<512xf32, #tpu.memory_space<vmem>>
    %dma_start3A_337 = arith.constant 0 : i32
    %dma_start3A_338 = tpu.memref_slice %arg11[%dma_start3A_332, %dma_start3A_337] : memref<16x512xi32, #tpu.memory_space<vmem>> -> memref<1x512xi32, #tpu.memory_space<vmem>>
    %dma_start3A_339 = tpu.memref_squeeze %dma_start3A_338 : memref<1x512xi32, #tpu.memory_space<vmem>> -> memref<512xi32, #tpu.memory_space<vmem>>
    %dma_start3A_340 = arith.constant 0 : i32
    %dma_start3A_341 = tpu.memref_slice %arg5[%dma_start3A_331, %dma_start3A_340] : memref<16x100000xf32, #tpu.memory_space<hbm>> -> memref<1x100000xf32, #tpu.memory_space<hbm>>
    %dma_start3A_342 = tpu.memref_squeeze %dma_start3A_341 : memref<1x100000xf32, #tpu.memory_space<hbm>> -> memref<100000xf32, #tpu.memory_space<hbm>>
    %dma_start3A_343 = arith.constant 0 : i32
    %dma_start3A_344 = tpu.memref_slice %dma_start3A_342[%dma_start3A_343] : memref<100000xf32, #tpu.memory_space<hbm>> -> memref<100000xf32, #tpu.memory_space<hbm>>
    tpu.enqueue_indirect_dma source(%dma_start3A_344 : memref<100000xf32, #tpu.memory_space<hbm>>) target(%dma_start3A_336 : memref<512xf32, #tpu.memory_space<vmem>>) offsets(%dma_start3A_339 : memref<512xi32, #tpu.memory_space<vmem>>) semaphore(%arg16 : memref<!tpu.dma_semaphore, #tpu.memory_space<semaphore_mem>>)
    %dma_start3A_345 = arith.constant 0 : i32
    %dma_start3A_346 = arith.constant 12 : i32
    %dma_start3A_347 = arith.constant 12 : i32
    %dma_start3A_348 = arith.constant 0 : i32
    %dma_start3A_349 = tpu.memref_slice %arg12[%dma_start3A_347, %dma_start3A_348] : memref<16x512xf32, #tpu.memory_space<vmem>> -> memref<1x512xf32, #tpu.memory_space<vmem>>
    %dma_start3A_350 = tpu.memref_squeeze %dma_start3A_349 : memref<1x512xf32, #tpu.memory_space<vmem>> -> memref<512xf32, #tpu.memory_space<vmem>>
    %dma_start3A_351 = arith.constant 0 : i32
    %dma_start3A_352 = tpu.memref_slice %arg10[%dma_start3A_346, %dma_start3A_351] : memref<16x512xi32, #tpu.memory_space<vmem>> -> memref<1x512xi32, #tpu.memory_space<vmem>>
    %dma_start3A_353 = tpu.memref_squeeze %dma_start3A_352 : memref<1x512xi32, #tpu.memory_space<vmem>> -> memref<512xi32, #tpu.memory_space<vmem>>
    %dma_start3A_354 = arith.constant 0 : i32
    %dma_start3A_355 = tpu.memref_slice %arg4[%dma_start3A_345, %dma_start3A_354] : memref<16x1000000xf32, #tpu.memory_space<hbm>> -> memref<1x1000000xf32, #tpu.memory_space<hbm>>
    %dma_start3A_356 = tpu.memref_squeeze %dma_start3A_355 : memref<1x1000000xf32, #tpu.memory_space<hbm>> -> memref<1000000xf32, #tpu.memory_space<hbm>>
    %dma_start3A_357 = arith.constant 0 : i32
    %dma_start3A_358 = tpu.memref_slice %dma_start3A_356[%dma_start3A_357] : memref<1000000xf32, #tpu.memory_space<hbm>> -> memref<1000000xf32, #tpu.memory_space<hbm>>
    tpu.enqueue_indirect_dma source(%dma_start3A_358 : memref<1000000xf32, #tpu.memory_space<hbm>>) target(%dma_start3A_350 : memref<512xf32, #tpu.memory_space<vmem>>) offsets(%dma_start3A_353 : memref<512xi32, #tpu.memory_space<vmem>>) semaphore(%arg16 : memref<!tpu.dma_semaphore, #tpu.memory_space<semaphore_mem>>)
    %dma_start3A_359 = arith.constant 0 : i32
    %dma_start3A_360 = arith.constant 12 : i32
    %dma_start3A_361 = arith.constant 12 : i32
    %dma_start3A_362 = arith.constant 0 : i32
    %dma_start3A_363 = tpu.memref_slice %arg13[%dma_start3A_361, %dma_start3A_362] : memref<16x512xf32, #tpu.memory_space<vmem>> -> memref<1x512xf32, #tpu.memory_space<vmem>>
    %dma_start3A_364 = tpu.memref_squeeze %dma_start3A_363 : memref<1x512xf32, #tpu.memory_space<vmem>> -> memref<512xf32, #tpu.memory_space<vmem>>
    %dma_start3A_365 = arith.constant 0 : i32
    %dma_start3A_366 = tpu.memref_slice %arg11[%dma_start3A_360, %dma_start3A_365] : memref<16x512xi32, #tpu.memory_space<vmem>> -> memref<1x512xi32, #tpu.memory_space<vmem>>
    %dma_start3A_367 = tpu.memref_squeeze %dma_start3A_366 : memref<1x512xi32, #tpu.memory_space<vmem>> -> memref<512xi32, #tpu.memory_space<vmem>>
    %dma_start3A_368 = arith.constant 0 : i32
    %dma_start3A_369 = tpu.memref_slice %arg5[%dma_start3A_359, %dma_start3A_368] : memref<16x100000xf32, #tpu.memory_space<hbm>> -> memref<1x100000xf32, #tpu.memory_space<hbm>>
    %dma_start3A_370 = tpu.memref_squeeze %dma_start3A_369 : memref<1x100000xf32, #tpu.memory_space<hbm>> -> memref<100000xf32, #tpu.memory_space<hbm>>
    %dma_start3A_371 = arith.constant 0 : i32
    %dma_start3A_372 = tpu.memref_slice %dma_start3A_370[%dma_start3A_371] : memref<100000xf32, #tpu.memory_space<hbm>> -> memref<100000xf32, #tpu.memory_space<hbm>>
    tpu.enqueue_indirect_dma source(%dma_start3A_372 : memref<100000xf32, #tpu.memory_space<hbm>>) target(%dma_start3A_364 : memref<512xf32, #tpu.memory_space<vmem>>) offsets(%dma_start3A_367 : memref<512xi32, #tpu.memory_space<vmem>>) semaphore(%arg16 : memref<!tpu.dma_semaphore, #tpu.memory_space<semaphore_mem>>)
    %dma_start3A_373 = arith.constant 0 : i32
    %dma_start3A_374 = arith.constant 13 : i32
    %dma_start3A_375 = arith.constant 13 : i32
    %dma_start3A_376 = arith.constant 0 : i32
    %dma_start3A_377 = tpu.memref_slice %arg12[%dma_start3A_375, %dma_start3A_376] : memref<16x512xf32, #tpu.memory_space<vmem>> -> memref<1x512xf32, #tpu.memory_space<vmem>>
    %dma_start3A_378 = tpu.memref_squeeze %dma_start3A_377 : memref<1x512xf32, #tpu.memory_space<vmem>> -> memref<512xf32, #tpu.memory_space<vmem>>
    %dma_start3A_379 = arith.constant 0 : i32
    %dma_start3A_380 = tpu.memref_slice %arg10[%dma_start3A_374, %dma_start3A_379] : memref<16x512xi32, #tpu.memory_space<vmem>> -> memref<1x512xi32, #tpu.memory_space<vmem>>
    %dma_start3A_381 = tpu.memref_squeeze %dma_start3A_380 : memref<1x512xi32, #tpu.memory_space<vmem>> -> memref<512xi32, #tpu.memory_space<vmem>>
    %dma_start3A_382 = arith.constant 0 : i32
    %dma_start3A_383 = tpu.memref_slice %arg4[%dma_start3A_373, %dma_start3A_382] : memref<16x1000000xf32, #tpu.memory_space<hbm>> -> memref<1x1000000xf32, #tpu.memory_space<hbm>>
    %dma_start3A_384 = tpu.memref_squeeze %dma_start3A_383 : memref<1x1000000xf32, #tpu.memory_space<hbm>> -> memref<1000000xf32, #tpu.memory_space<hbm>>
    %dma_start3A_385 = arith.constant 0 : i32
    %dma_start3A_386 = tpu.memref_slice %dma_start3A_384[%dma_start3A_385] : memref<1000000xf32, #tpu.memory_space<hbm>> -> memref<1000000xf32, #tpu.memory_space<hbm>>
    tpu.enqueue_indirect_dma source(%dma_start3A_386 : memref<1000000xf32, #tpu.memory_space<hbm>>) target(%dma_start3A_378 : memref<512xf32, #tpu.memory_space<vmem>>) offsets(%dma_start3A_381 : memref<512xi32, #tpu.memory_space<vmem>>) semaphore(%arg16 : memref<!tpu.dma_semaphore, #tpu.memory_space<semaphore_mem>>)
    %dma_start3A_387 = arith.constant 0 : i32
    %dma_start3A_388 = arith.constant 13 : i32
    %dma_start3A_389 = arith.constant 13 : i32
    %dma_start3A_390 = arith.constant 0 : i32
    %dma_start3A_391 = tpu.memref_slice %arg13[%dma_start3A_389, %dma_start3A_390] : memref<16x512xf32, #tpu.memory_space<vmem>> -> memref<1x512xf32, #tpu.memory_space<vmem>>
    %dma_start3A_392 = tpu.memref_squeeze %dma_start3A_391 : memref<1x512xf32, #tpu.memory_space<vmem>> -> memref<512xf32, #tpu.memory_space<vmem>>
    %dma_start3A_393 = arith.constant 0 : i32
    %dma_start3A_394 = tpu.memref_slice %arg11[%dma_start3A_388, %dma_start3A_393] : memref<16x512xi32, #tpu.memory_space<vmem>> -> memref<1x512xi32, #tpu.memory_space<vmem>>
    %dma_start3A_395 = tpu.memref_squeeze %dma_start3A_394 : memref<1x512xi32, #tpu.memory_space<vmem>> -> memref<512xi32, #tpu.memory_space<vmem>>
    %dma_start3A_396 = arith.constant 0 : i32
    %dma_start3A_397 = tpu.memref_slice %arg5[%dma_start3A_387, %dma_start3A_396] : memref<16x100000xf32, #tpu.memory_space<hbm>> -> memref<1x100000xf32, #tpu.memory_space<hbm>>
    %dma_start3A_398 = tpu.memref_squeeze %dma_start3A_397 : memref<1x100000xf32, #tpu.memory_space<hbm>> -> memref<100000xf32, #tpu.memory_space<hbm>>
    %dma_start3A_399 = arith.constant 0 : i32
    %dma_start3A_400 = tpu.memref_slice %dma_start3A_398[%dma_start3A_399] : memref<100000xf32, #tpu.memory_space<hbm>> -> memref<100000xf32, #tpu.memory_space<hbm>>
    tpu.enqueue_indirect_dma source(%dma_start3A_400 : memref<100000xf32, #tpu.memory_space<hbm>>) target(%dma_start3A_392 : memref<512xf32, #tpu.memory_space<vmem>>) offsets(%dma_start3A_395 : memref<512xi32, #tpu.memory_space<vmem>>) semaphore(%arg16 : memref<!tpu.dma_semaphore, #tpu.memory_space<semaphore_mem>>)
    %dma_start3A_401 = arith.constant 0 : i32
    %dma_start3A_402 = arith.constant 14 : i32
    %dma_start3A_403 = arith.constant 14 : i32
    %dma_start3A_404 = arith.constant 0 : i32
    %dma_start3A_405 = tpu.memref_slice %arg12[%dma_start3A_403, %dma_start3A_404] : memref<16x512xf32, #tpu.memory_space<vmem>> -> memref<1x512xf32, #tpu.memory_space<vmem>>
    %dma_start3A_406 = tpu.memref_squeeze %dma_start3A_405 : memref<1x512xf32, #tpu.memory_space<vmem>> -> memref<512xf32, #tpu.memory_space<vmem>>
    %dma_start3A_407 = arith.constant 0 : i32
    %dma_start3A_408 = tpu.memref_slice %arg10[%dma_start3A_402, %dma_start3A_407] : memref<16x512xi32, #tpu.memory_space<vmem>> -> memref<1x512xi32, #tpu.memory_space<vmem>>
    %dma_start3A_409 = tpu.memref_squeeze %dma_start3A_408 : memref<1x512xi32, #tpu.memory_space<vmem>> -> memref<512xi32, #tpu.memory_space<vmem>>
    %dma_start3A_410 = arith.constant 0 : i32
    %dma_start3A_411 = tpu.memref_slice %arg4[%dma_start3A_401, %dma_start3A_410] : memref<16x1000000xf32, #tpu.memory_space<hbm>> -> memref<1x1000000xf32, #tpu.memory_space<hbm>>
    %dma_start3A_412 = tpu.memref_squeeze %dma_start3A_411 : memref<1x1000000xf32, #tpu.memory_space<hbm>> -> memref<1000000xf32, #tpu.memory_space<hbm>>
    %dma_start3A_413 = arith.constant 0 : i32
    %dma_start3A_414 = tpu.memref_slice %dma_start3A_412[%dma_start3A_413] : memref<1000000xf32, #tpu.memory_space<hbm>> -> memref<1000000xf32, #tpu.memory_space<hbm>>
    tpu.enqueue_indirect_dma source(%dma_start3A_414 : memref<1000000xf32, #tpu.memory_space<hbm>>) target(%dma_start3A_406 : memref<512xf32, #tpu.memory_space<vmem>>) offsets(%dma_start3A_409 : memref<512xi32, #tpu.memory_space<vmem>>) semaphore(%arg16 : memref<!tpu.dma_semaphore, #tpu.memory_space<semaphore_mem>>)
    %dma_start3A_415 = arith.constant 0 : i32
    %dma_start3A_416 = arith.constant 14 : i32
    %dma_start3A_417 = arith.constant 14 : i32
    %dma_start3A_418 = arith.constant 0 : i32
    %dma_start3A_419 = tpu.memref_slice %arg13[%dma_start3A_417, %dma_start3A_418] : memref<16x512xf32, #tpu.memory_space<vmem>> -> memref<1x512xf32, #tpu.memory_space<vmem>>
    %dma_start3A_420 = tpu.memref_squeeze %dma_start3A_419 : memref<1x512xf32, #tpu.memory_space<vmem>> -> memref<512xf32, #tpu.memory_space<vmem>>
    %dma_start3A_421 = arith.constant 0 : i32
    %dma_start3A_422 = tpu.memref_slice %arg11[%dma_start3A_416, %dma_start3A_421] : memref<16x512xi32, #tpu.memory_space<vmem>> -> memref<1x512xi32, #tpu.memory_space<vmem>>
    %dma_start3A_423 = tpu.memref_squeeze %dma_start3A_422 : memref<1x512xi32, #tpu.memory_space<vmem>> -> memref<512xi32, #tpu.memory_space<vmem>>
    %dma_start3A_424 = arith.constant 0 : i32
    %dma_start3A_425 = tpu.memref_slice %arg5[%dma_start3A_415, %dma_start3A_424] : memref<16x100000xf32, #tpu.memory_space<hbm>> -> memref<1x100000xf32, #tpu.memory_space<hbm>>
    %dma_start3A_426 = tpu.memref_squeeze %dma_start3A_425 : memref<1x100000xf32, #tpu.memory_space<hbm>> -> memref<100000xf32, #tpu.memory_space<hbm>>
    %dma_start3A_427 = arith.constant 0 : i32
    %dma_start3A_428 = tpu.memref_slice %dma_start3A_426[%dma_start3A_427] : memref<100000xf32, #tpu.memory_space<hbm>> -> memref<100000xf32, #tpu.memory_space<hbm>>
    tpu.enqueue_indirect_dma source(%dma_start3A_428 : memref<100000xf32, #tpu.memory_space<hbm>>) target(%dma_start3A_420 : memref<512xf32, #tpu.memory_space<vmem>>) offsets(%dma_start3A_423 : memref<512xi32, #tpu.memory_space<vmem>>) semaphore(%arg16 : memref<!tpu.dma_semaphore, #tpu.memory_space<semaphore_mem>>)
    %dma_start3A_429 = arith.constant 0 : i32
    %dma_start3A_430 = arith.constant 15 : i32
    %dma_start3A_431 = arith.constant 15 : i32
    %dma_start3A_432 = arith.constant 0 : i32
    %dma_start3A_433 = tpu.memref_slice %arg12[%dma_start3A_431, %dma_start3A_432] : memref<16x512xf32, #tpu.memory_space<vmem>> -> memref<1x512xf32, #tpu.memory_space<vmem>>
    %dma_start3A_434 = tpu.memref_squeeze %dma_start3A_433 : memref<1x512xf32, #tpu.memory_space<vmem>> -> memref<512xf32, #tpu.memory_space<vmem>>
    %dma_start3A_435 = arith.constant 0 : i32
    %dma_start3A_436 = tpu.memref_slice %arg10[%dma_start3A_430, %dma_start3A_435] : memref<16x512xi32, #tpu.memory_space<vmem>> -> memref<1x512xi32, #tpu.memory_space<vmem>>
    %dma_start3A_437 = tpu.memref_squeeze %dma_start3A_436 : memref<1x512xi32, #tpu.memory_space<vmem>> -> memref<512xi32, #tpu.memory_space<vmem>>
    %dma_start3A_438 = arith.constant 0 : i32
    %dma_start3A_439 = tpu.memref_slice %arg4[%dma_start3A_429, %dma_start3A_438] : memref<16x1000000xf32, #tpu.memory_space<hbm>> -> memref<1x1000000xf32, #tpu.memory_space<hbm>>
    %dma_start3A_440 = tpu.memref_squeeze %dma_start3A_439 : memref<1x1000000xf32, #tpu.memory_space<hbm>> -> memref<1000000xf32, #tpu.memory_space<hbm>>
    %dma_start3A_441 = arith.constant 0 : i32
    %dma_start3A_442 = tpu.memref_slice %dma_start3A_440[%dma_start3A_441] : memref<1000000xf32, #tpu.memory_space<hbm>> -> memref<1000000xf32, #tpu.memory_space<hbm>>
    tpu.enqueue_indirect_dma source(%dma_start3A_442 : memref<1000000xf32, #tpu.memory_space<hbm>>) target(%dma_start3A_434 : memref<512xf32, #tpu.memory_space<vmem>>) offsets(%dma_start3A_437 : memref<512xi32, #tpu.memory_space<vmem>>) semaphore(%arg16 : memref<!tpu.dma_semaphore, #tpu.memory_space<semaphore_mem>>)
    %dma_start3A_443 = arith.constant 0 : i32
    %dma_start3A_444 = arith.constant 15 : i32
    %dma_start3A_445 = arith.constant 15 : i32
    %dma_start3A_446 = arith.constant 0 : i32
    %dma_start3A_447 = tpu.memref_slice %arg13[%dma_start3A_445, %dma_start3A_446] : memref<16x512xf32, #tpu.memory_space<vmem>> -> memref<1x512xf32, #tpu.memory_space<vmem>>
    %dma_start3A_448 = tpu.memref_squeeze %dma_start3A_447 : memref<1x512xf32, #tpu.memory_space<vmem>> -> memref<512xf32, #tpu.memory_space<vmem>>
    %dma_start3A_449 = arith.constant 0 : i32
    %dma_start3A_450 = tpu.memref_slice %arg11[%dma_start3A_444, %dma_start3A_449] : memref<16x512xi32, #tpu.memory_space<vmem>> -> memref<1x512xi32, #tpu.memory_space<vmem>>
    %dma_start3A_451 = tpu.memref_squeeze %dma_start3A_450 : memref<1x512xi32, #tpu.memory_space<vmem>> -> memref<512xi32, #tpu.memory_space<vmem>>
    %dma_start3A_452 = arith.constant 0 : i32
    %dma_start3A_453 = tpu.memref_slice %arg5[%dma_start3A_443, %dma_start3A_452] : memref<16x100000xf32, #tpu.memory_space<hbm>> -> memref<1x100000xf32, #tpu.memory_space<hbm>>
    %dma_start3A_454 = tpu.memref_squeeze %dma_start3A_453 : memref<1x100000xf32, #tpu.memory_space<hbm>> -> memref<100000xf32, #tpu.memory_space<hbm>>
    %dma_start3A_455 = arith.constant 0 : i32
    %dma_start3A_456 = tpu.memref_slice %dma_start3A_454[%dma_start3A_455] : memref<100000xf32, #tpu.memory_space<hbm>> -> memref<100000xf32, #tpu.memory_space<hbm>>
    tpu.enqueue_indirect_dma source(%dma_start3A_456 : memref<100000xf32, #tpu.memory_space<hbm>>) target(%dma_start3A_448 : memref<512xf32, #tpu.memory_space<vmem>>) offsets(%dma_start3A_451 : memref<512xi32, #tpu.memory_space<vmem>>) semaphore(%arg16 : memref<!tpu.dma_semaphore, #tpu.memory_space<semaphore_mem>>)
    %dma_wait3A = arith.constant 0 : i32
    %dma_wait3A_457 = tpu.memref_slice %arg6[%dma_wait3A] : memref<100000xf32, #tpu.memory_space<hbm>> -> memref<100000xf32, #tpu.memory_space<hbm>>
    tpu.wait_indirect_dma semaphore(%arg16 : memref<!tpu.dma_semaphore, #tpu.memory_space<semaphore_mem>>) src(%dma_wait3A_457 : memref<100000xf32, #tpu.memory_space<hbm>>) dst(%arg14 : memref<512xf32, #tpu.memory_space<vmem>>)
    %dma_wait3A_458 = arith.constant 0 : i32
    %dma_wait3A_459 = arith.constant 0 : i32
    %dma_wait3A_460 = arith.constant 0 : i32
    %dma_wait3A_461 = arith.constant 0 : i32
    %dma_wait3A_462 = tpu.memref_slice %arg12[%dma_wait3A_460, %dma_wait3A_461] : memref<16x512xf32, #tpu.memory_space<vmem>> -> memref<1x512xf32, #tpu.memory_space<vmem>>
    %dma_wait3A_463 = tpu.memref_squeeze %dma_wait3A_462 : memref<1x512xf32, #tpu.memory_space<vmem>> -> memref<512xf32, #tpu.memory_space<vmem>>
    %dma_wait3A_464 = arith.constant 0 : i32
    %dma_wait3A_465 = tpu.memref_slice %arg10[%dma_wait3A_459, %dma_wait3A_464] : memref<16x512xi32, #tpu.memory_space<vmem>> -> memref<1x512xi32, #tpu.memory_space<vmem>>
    %dma_wait3A_466 = tpu.memref_squeeze %dma_wait3A_465 : memref<1x512xi32, #tpu.memory_space<vmem>> -> memref<512xi32, #tpu.memory_space<vmem>>
    %dma_wait3A_467 = arith.constant 0 : i32
    %dma_wait3A_468 = tpu.memref_slice %arg4[%dma_wait3A_458, %dma_wait3A_467] : memref<16x1000000xf32, #tpu.memory_space<hbm>> -> memref<1x1000000xf32, #tpu.memory_space<hbm>>
    %dma_wait3A_469 = tpu.memref_squeeze %dma_wait3A_468 : memref<1x1000000xf32, #tpu.memory_space<hbm>> -> memref<1000000xf32, #tpu.memory_space<hbm>>
    %dma_wait3A_470 = arith.constant 0 : i32
    %dma_wait3A_471 = tpu.memref_slice %dma_wait3A_469[%dma_wait3A_470] : memref<1000000xf32, #tpu.memory_space<hbm>> -> memref<1000000xf32, #tpu.memory_space<hbm>>
    tpu.wait_indirect_dma semaphore(%arg16 : memref<!tpu.dma_semaphore, #tpu.memory_space<semaphore_mem>>) src(%dma_wait3A_471 : memref<1000000xf32, #tpu.memory_space<hbm>>) dst(%dma_wait3A_463 : memref<512xf32, #tpu.memory_space<vmem>>)
    %dma_wait3A_472 = arith.constant 0 : i32
    %dma_wait3A_473 = arith.constant 0 : i32
    %dma_wait3A_474 = arith.constant 0 : i32
    %dma_wait3A_475 = arith.constant 0 : i32
    %dma_wait3A_476 = tpu.memref_slice %arg13[%dma_wait3A_474, %dma_wait3A_475] : memref<16x512xf32, #tpu.memory_space<vmem>> -> memref<1x512xf32, #tpu.memory_space<vmem>>
    %dma_wait3A_477 = tpu.memref_squeeze %dma_wait3A_476 : memref<1x512xf32, #tpu.memory_space<vmem>> -> memref<512xf32, #tpu.memory_space<vmem>>
    %dma_wait3A_478 = arith.constant 0 : i32
    %dma_wait3A_479 = tpu.memref_slice %arg11[%dma_wait3A_473, %dma_wait3A_478] : memref<16x512xi32, #tpu.memory_space<vmem>> -> memref<1x512xi32, #tpu.memory_space<vmem>>
    %dma_wait3A_480 = tpu.memref_squeeze %dma_wait3A_479 : memref<1x512xi32, #tpu.memory_space<vmem>> -> memref<512xi32, #tpu.memory_space<vmem>>
    %dma_wait3A_481 = arith.constant 0 : i32
    %dma_wait3A_482 = tpu.memref_slice %arg5[%dma_wait3A_472, %dma_wait3A_481] : memref<16x100000xf32, #tpu.memory_space<hbm>> -> memref<1x100000xf32, #tpu.memory_space<hbm>>
    %dma_wait3A_483 = tpu.memref_squeeze %dma_wait3A_482 : memref<1x100000xf32, #tpu.memory_space<hbm>> -> memref<100000xf32, #tpu.memory_space<hbm>>
    %dma_wait3A_484 = arith.constant 0 : i32
    %dma_wait3A_485 = tpu.memref_slice %dma_wait3A_483[%dma_wait3A_484] : memref<100000xf32, #tpu.memory_space<hbm>> -> memref<100000xf32, #tpu.memory_space<hbm>>
    tpu.wait_indirect_dma semaphore(%arg16 : memref<!tpu.dma_semaphore, #tpu.memory_space<semaphore_mem>>) src(%dma_wait3A_485 : memref<100000xf32, #tpu.memory_space<hbm>>) dst(%dma_wait3A_477 : memref<512xf32, #tpu.memory_space<vmem>>)
    %dma_wait3A_486 = arith.constant 0 : i32
    %dma_wait3A_487 = arith.constant 1 : i32
    %dma_wait3A_488 = arith.constant 1 : i32
    %dma_wait3A_489 = arith.constant 0 : i32
    %dma_wait3A_490 = tpu.memref_slice %arg12[%dma_wait3A_488, %dma_wait3A_489] : memref<16x512xf32, #tpu.memory_space<vmem>> -> memref<1x512xf32, #tpu.memory_space<vmem>>
    %dma_wait3A_491 = tpu.memref_squeeze %dma_wait3A_490 : memref<1x512xf32, #tpu.memory_space<vmem>> -> memref<512xf32, #tpu.memory_space<vmem>>
    %dma_wait3A_492 = arith.constant 0 : i32
    %dma_wait3A_493 = tpu.memref_slice %arg10[%dma_wait3A_487, %dma_wait3A_492] : memref<16x512xi32, #tpu.memory_space<vmem>> -> memref<1x512xi32, #tpu.memory_space<vmem>>
    %dma_wait3A_494 = tpu.memref_squeeze %dma_wait3A_493 : memref<1x512xi32, #tpu.memory_space<vmem>> -> memref<512xi32, #tpu.memory_space<vmem>>
    %dma_wait3A_495 = arith.constant 0 : i32
    %dma_wait3A_496 = tpu.memref_slice %arg4[%dma_wait3A_486, %dma_wait3A_495] : memref<16x1000000xf32, #tpu.memory_space<hbm>> -> memref<1x1000000xf32, #tpu.memory_space<hbm>>
    %dma_wait3A_497 = tpu.memref_squeeze %dma_wait3A_496 : memref<1x1000000xf32, #tpu.memory_space<hbm>> -> memref<1000000xf32, #tpu.memory_space<hbm>>
    %dma_wait3A_498 = arith.constant 0 : i32
    %dma_wait3A_499 = tpu.memref_slice %dma_wait3A_497[%dma_wait3A_498] : memref<1000000xf32, #tpu.memory_space<hbm>> -> memref<1000000xf32, #tpu.memory_space<hbm>>
    tpu.wait_indirect_dma semaphore(%arg16 : memref<!tpu.dma_semaphore, #tpu.memory_space<semaphore_mem>>) src(%dma_wait3A_499 : memref<1000000xf32, #tpu.memory_space<hbm>>) dst(%dma_wait3A_491 : memref<512xf32, #tpu.memory_space<vmem>>)
    %dma_wait3A_500 = arith.constant 0 : i32
    %dma_wait3A_501 = arith.constant 1 : i32
    %dma_wait3A_502 = arith.constant 1 : i32
    %dma_wait3A_503 = arith.constant 0 : i32
    %dma_wait3A_504 = tpu.memref_slice %arg13[%dma_wait3A_502, %dma_wait3A_503] : memref<16x512xf32, #tpu.memory_space<vmem>> -> memref<1x512xf32, #tpu.memory_space<vmem>>
    %dma_wait3A_505 = tpu.memref_squeeze %dma_wait3A_504 : memref<1x512xf32, #tpu.memory_space<vmem>> -> memref<512xf32, #tpu.memory_space<vmem>>
    %dma_wait3A_506 = arith.constant 0 : i32
    %dma_wait3A_507 = tpu.memref_slice %arg11[%dma_wait3A_501, %dma_wait3A_506] : memref<16x512xi32, #tpu.memory_space<vmem>> -> memref<1x512xi32, #tpu.memory_space<vmem>>
    %dma_wait3A_508 = tpu.memref_squeeze %dma_wait3A_507 : memref<1x512xi32, #tpu.memory_space<vmem>> -> memref<512xi32, #tpu.memory_space<vmem>>
    %dma_wait3A_509 = arith.constant 0 : i32
    %dma_wait3A_510 = tpu.memref_slice %arg5[%dma_wait3A_500, %dma_wait3A_509] : memref<16x100000xf32, #tpu.memory_space<hbm>> -> memref<1x100000xf32, #tpu.memory_space<hbm>>
    %dma_wait3A_511 = tpu.memref_squeeze %dma_wait3A_510 : memref<1x100000xf32, #tpu.memory_space<hbm>> -> memref<100000xf32, #tpu.memory_space<hbm>>
    %dma_wait3A_512 = arith.constant 0 : i32
    %dma_wait3A_513 = tpu.memref_slice %dma_wait3A_511[%dma_wait3A_512] : memref<100000xf32, #tpu.memory_space<hbm>> -> memref<100000xf32, #tpu.memory_space<hbm>>
    tpu.wait_indirect_dma semaphore(%arg16 : memref<!tpu.dma_semaphore, #tpu.memory_space<semaphore_mem>>) src(%dma_wait3A_513 : memref<100000xf32, #tpu.memory_space<hbm>>) dst(%dma_wait3A_505 : memref<512xf32, #tpu.memory_space<vmem>>)
    %dma_wait3A_514 = arith.constant 0 : i32
    %dma_wait3A_515 = arith.constant 2 : i32
    %dma_wait3A_516 = arith.constant 2 : i32
    %dma_wait3A_517 = arith.constant 0 : i32
    %dma_wait3A_518 = tpu.memref_slice %arg12[%dma_wait3A_516, %dma_wait3A_517] : memref<16x512xf32, #tpu.memory_space<vmem>> -> memref<1x512xf32, #tpu.memory_space<vmem>>
    %dma_wait3A_519 = tpu.memref_squeeze %dma_wait3A_518 : memref<1x512xf32, #tpu.memory_space<vmem>> -> memref<512xf32, #tpu.memory_space<vmem>>
    %dma_wait3A_520 = arith.constant 0 : i32
    %dma_wait3A_521 = tpu.memref_slice %arg10[%dma_wait3A_515, %dma_wait3A_520] : memref<16x512xi32, #tpu.memory_space<vmem>> -> memref<1x512xi32, #tpu.memory_space<vmem>>
    %dma_wait3A_522 = tpu.memref_squeeze %dma_wait3A_521 : memref<1x512xi32, #tpu.memory_space<vmem>> -> memref<512xi32, #tpu.memory_space<vmem>>
    %dma_wait3A_523 = arith.constant 0 : i32
    %dma_wait3A_524 = tpu.memref_slice %arg4[%dma_wait3A_514, %dma_wait3A_523] : memref<16x1000000xf32, #tpu.memory_space<hbm>> -> memref<1x1000000xf32, #tpu.memory_space<hbm>>
    %dma_wait3A_525 = tpu.memref_squeeze %dma_wait3A_524 : memref<1x1000000xf32, #tpu.memory_space<hbm>> -> memref<1000000xf32, #tpu.memory_space<hbm>>
    %dma_wait3A_526 = arith.constant 0 : i32
    %dma_wait3A_527 = tpu.memref_slice %dma_wait3A_525[%dma_wait3A_526] : memref<1000000xf32, #tpu.memory_space<hbm>> -> memref<1000000xf32, #tpu.memory_space<hbm>>
    tpu.wait_indirect_dma semaphore(%arg16 : memref<!tpu.dma_semaphore, #tpu.memory_space<semaphore_mem>>) src(%dma_wait3A_527 : memref<1000000xf32, #tpu.memory_space<hbm>>) dst(%dma_wait3A_519 : memref<512xf32, #tpu.memory_space<vmem>>)
    %dma_wait3A_528 = arith.constant 0 : i32
    %dma_wait3A_529 = arith.constant 2 : i32
    %dma_wait3A_530 = arith.constant 2 : i32
    %dma_wait3A_531 = arith.constant 0 : i32
    %dma_wait3A_532 = tpu.memref_slice %arg13[%dma_wait3A_530, %dma_wait3A_531] : memref<16x512xf32, #tpu.memory_space<vmem>> -> memref<1x512xf32, #tpu.memory_space<vmem>>
    %dma_wait3A_533 = tpu.memref_squeeze %dma_wait3A_532 : memref<1x512xf32, #tpu.memory_space<vmem>> -> memref<512xf32, #tpu.memory_space<vmem>>
    %dma_wait3A_534 = arith.constant 0 : i32
    %dma_wait3A_535 = tpu.memref_slice %arg11[%dma_wait3A_529, %dma_wait3A_534] : memref<16x512xi32, #tpu.memory_space<vmem>> -> memref<1x512xi32, #tpu.memory_space<vmem>>
    %dma_wait3A_536 = tpu.memref_squeeze %dma_wait3A_535 : memref<1x512xi32, #tpu.memory_space<vmem>> -> memref<512xi32, #tpu.memory_space<vmem>>
    %dma_wait3A_537 = arith.constant 0 : i32
    %dma_wait3A_538 = tpu.memref_slice %arg5[%dma_wait3A_528, %dma_wait3A_537] : memref<16x100000xf32, #tpu.memory_space<hbm>> -> memref<1x100000xf32, #tpu.memory_space<hbm>>
    %dma_wait3A_539 = tpu.memref_squeeze %dma_wait3A_538 : memref<1x100000xf32, #tpu.memory_space<hbm>> -> memref<100000xf32, #tpu.memory_space<hbm>>
    %dma_wait3A_540 = arith.constant 0 : i32
    %dma_wait3A_541 = tpu.memref_slice %dma_wait3A_539[%dma_wait3A_540] : memref<100000xf32, #tpu.memory_space<hbm>> -> memref<100000xf32, #tpu.memory_space<hbm>>
    tpu.wait_indirect_dma semaphore(%arg16 : memref<!tpu.dma_semaphore, #tpu.memory_space<semaphore_mem>>) src(%dma_wait3A_541 : memref<100000xf32, #tpu.memory_space<hbm>>) dst(%dma_wait3A_533 : memref<512xf32, #tpu.memory_space<vmem>>)
    %dma_wait3A_542 = arith.constant 0 : i32
    %dma_wait3A_543 = arith.constant 3 : i32
    %dma_wait3A_544 = arith.constant 3 : i32
    %dma_wait3A_545 = arith.constant 0 : i32
    %dma_wait3A_546 = tpu.memref_slice %arg12[%dma_wait3A_544, %dma_wait3A_545] : memref<16x512xf32, #tpu.memory_space<vmem>> -> memref<1x512xf32, #tpu.memory_space<vmem>>
    %dma_wait3A_547 = tpu.memref_squeeze %dma_wait3A_546 : memref<1x512xf32, #tpu.memory_space<vmem>> -> memref<512xf32, #tpu.memory_space<vmem>>
    %dma_wait3A_548 = arith.constant 0 : i32
    %dma_wait3A_549 = tpu.memref_slice %arg10[%dma_wait3A_543, %dma_wait3A_548] : memref<16x512xi32, #tpu.memory_space<vmem>> -> memref<1x512xi32, #tpu.memory_space<vmem>>
    %dma_wait3A_550 = tpu.memref_squeeze %dma_wait3A_549 : memref<1x512xi32, #tpu.memory_space<vmem>> -> memref<512xi32, #tpu.memory_space<vmem>>
    %dma_wait3A_551 = arith.constant 0 : i32
    %dma_wait3A_552 = tpu.memref_slice %arg4[%dma_wait3A_542, %dma_wait3A_551] : memref<16x1000000xf32, #tpu.memory_space<hbm>> -> memref<1x1000000xf32, #tpu.memory_space<hbm>>
    %dma_wait3A_553 = tpu.memref_squeeze %dma_wait3A_552 : memref<1x1000000xf32, #tpu.memory_space<hbm>> -> memref<1000000xf32, #tpu.memory_space<hbm>>
    %dma_wait3A_554 = arith.constant 0 : i32
    %dma_wait3A_555 = tpu.memref_slice %dma_wait3A_553[%dma_wait3A_554] : memref<1000000xf32, #tpu.memory_space<hbm>> -> memref<1000000xf32, #tpu.memory_space<hbm>>
    tpu.wait_indirect_dma semaphore(%arg16 : memref<!tpu.dma_semaphore, #tpu.memory_space<semaphore_mem>>) src(%dma_wait3A_555 : memref<1000000xf32, #tpu.memory_space<hbm>>) dst(%dma_wait3A_547 : memref<512xf32, #tpu.memory_space<vmem>>)
    %dma_wait3A_556 = arith.constant 0 : i32
    %dma_wait3A_557 = arith.constant 3 : i32
    %dma_wait3A_558 = arith.constant 3 : i32
    %dma_wait3A_559 = arith.constant 0 : i32
    %dma_wait3A_560 = tpu.memref_slice %arg13[%dma_wait3A_558, %dma_wait3A_559] : memref<16x512xf32, #tpu.memory_space<vmem>> -> memref<1x512xf32, #tpu.memory_space<vmem>>
    %dma_wait3A_561 = tpu.memref_squeeze %dma_wait3A_560 : memref<1x512xf32, #tpu.memory_space<vmem>> -> memref<512xf32, #tpu.memory_space<vmem>>
    %dma_wait3A_562 = arith.constant 0 : i32
    %dma_wait3A_563 = tpu.memref_slice %arg11[%dma_wait3A_557, %dma_wait3A_562] : memref<16x512xi32, #tpu.memory_space<vmem>> -> memref<1x512xi32, #tpu.memory_space<vmem>>
    %dma_wait3A_564 = tpu.memref_squeeze %dma_wait3A_563 : memref<1x512xi32, #tpu.memory_space<vmem>> -> memref<512xi32, #tpu.memory_space<vmem>>
    %dma_wait3A_565 = arith.constant 0 : i32
    %dma_wait3A_566 = tpu.memref_slice %arg5[%dma_wait3A_556, %dma_wait3A_565] : memref<16x100000xf32, #tpu.memory_space<hbm>> -> memref<1x100000xf32, #tpu.memory_space<hbm>>
    %dma_wait3A_567 = tpu.memref_squeeze %dma_wait3A_566 : memref<1x100000xf32, #tpu.memory_space<hbm>> -> memref<100000xf32, #tpu.memory_space<hbm>>
    %dma_wait3A_568 = arith.constant 0 : i32
    %dma_wait3A_569 = tpu.memref_slice %dma_wait3A_567[%dma_wait3A_568] : memref<100000xf32, #tpu.memory_space<hbm>> -> memref<100000xf32, #tpu.memory_space<hbm>>
    tpu.wait_indirect_dma semaphore(%arg16 : memref<!tpu.dma_semaphore, #tpu.memory_space<semaphore_mem>>) src(%dma_wait3A_569 : memref<100000xf32, #tpu.memory_space<hbm>>) dst(%dma_wait3A_561 : memref<512xf32, #tpu.memory_space<vmem>>)
    %dma_wait3A_570 = arith.constant 0 : i32
    %dma_wait3A_571 = arith.constant 4 : i32
    %dma_wait3A_572 = arith.constant 4 : i32
    %dma_wait3A_573 = arith.constant 0 : i32
    %dma_wait3A_574 = tpu.memref_slice %arg12[%dma_wait3A_572, %dma_wait3A_573] : memref<16x512xf32, #tpu.memory_space<vmem>> -> memref<1x512xf32, #tpu.memory_space<vmem>>
    %dma_wait3A_575 = tpu.memref_squeeze %dma_wait3A_574 : memref<1x512xf32, #tpu.memory_space<vmem>> -> memref<512xf32, #tpu.memory_space<vmem>>
    %dma_wait3A_576 = arith.constant 0 : i32
    %dma_wait3A_577 = tpu.memref_slice %arg10[%dma_wait3A_571, %dma_wait3A_576] : memref<16x512xi32, #tpu.memory_space<vmem>> -> memref<1x512xi32, #tpu.memory_space<vmem>>
    %dma_wait3A_578 = tpu.memref_squeeze %dma_wait3A_577 : memref<1x512xi32, #tpu.memory_space<vmem>> -> memref<512xi32, #tpu.memory_space<vmem>>
    %dma_wait3A_579 = arith.constant 0 : i32
    %dma_wait3A_580 = tpu.memref_slice %arg4[%dma_wait3A_570, %dma_wait3A_579] : memref<16x1000000xf32, #tpu.memory_space<hbm>> -> memref<1x1000000xf32, #tpu.memory_space<hbm>>
    %dma_wait3A_581 = tpu.memref_squeeze %dma_wait3A_580 : memref<1x1000000xf32, #tpu.memory_space<hbm>> -> memref<1000000xf32, #tpu.memory_space<hbm>>
    %dma_wait3A_582 = arith.constant 0 : i32
    %dma_wait3A_583 = tpu.memref_slice %dma_wait3A_581[%dma_wait3A_582] : memref<1000000xf32, #tpu.memory_space<hbm>> -> memref<1000000xf32, #tpu.memory_space<hbm>>
    tpu.wait_indirect_dma semaphore(%arg16 : memref<!tpu.dma_semaphore, #tpu.memory_space<semaphore_mem>>) src(%dma_wait3A_583 : memref<1000000xf32, #tpu.memory_space<hbm>>) dst(%dma_wait3A_575 : memref<512xf32, #tpu.memory_space<vmem>>)
    %dma_wait3A_584 = arith.constant 0 : i32
    %dma_wait3A_585 = arith.constant 4 : i32
    %dma_wait3A_586 = arith.constant 4 : i32
    %dma_wait3A_587 = arith.constant 0 : i32
    %dma_wait3A_588 = tpu.memref_slice %arg13[%dma_wait3A_586, %dma_wait3A_587] : memref<16x512xf32, #tpu.memory_space<vmem>> -> memref<1x512xf32, #tpu.memory_space<vmem>>
    %dma_wait3A_589 = tpu.memref_squeeze %dma_wait3A_588 : memref<1x512xf32, #tpu.memory_space<vmem>> -> memref<512xf32, #tpu.memory_space<vmem>>
    %dma_wait3A_590 = arith.constant 0 : i32
    %dma_wait3A_591 = tpu.memref_slice %arg11[%dma_wait3A_585, %dma_wait3A_590] : memref<16x512xi32, #tpu.memory_space<vmem>> -> memref<1x512xi32, #tpu.memory_space<vmem>>
    %dma_wait3A_592 = tpu.memref_squeeze %dma_wait3A_591 : memref<1x512xi32, #tpu.memory_space<vmem>> -> memref<512xi32, #tpu.memory_space<vmem>>
    %dma_wait3A_593 = arith.constant 0 : i32
    %dma_wait3A_594 = tpu.memref_slice %arg5[%dma_wait3A_584, %dma_wait3A_593] : memref<16x100000xf32, #tpu.memory_space<hbm>> -> memref<1x100000xf32, #tpu.memory_space<hbm>>
    %dma_wait3A_595 = tpu.memref_squeeze %dma_wait3A_594 : memref<1x100000xf32, #tpu.memory_space<hbm>> -> memref<100000xf32, #tpu.memory_space<hbm>>
    %dma_wait3A_596 = arith.constant 0 : i32
    %dma_wait3A_597 = tpu.memref_slice %dma_wait3A_595[%dma_wait3A_596] : memref<100000xf32, #tpu.memory_space<hbm>> -> memref<100000xf32, #tpu.memory_space<hbm>>
    tpu.wait_indirect_dma semaphore(%arg16 : memref<!tpu.dma_semaphore, #tpu.memory_space<semaphore_mem>>) src(%dma_wait3A_597 : memref<100000xf32, #tpu.memory_space<hbm>>) dst(%dma_wait3A_589 : memref<512xf32, #tpu.memory_space<vmem>>)
    %dma_wait3A_598 = arith.constant 0 : i32
    %dma_wait3A_599 = arith.constant 5 : i32
    %dma_wait3A_600 = arith.constant 5 : i32
    %dma_wait3A_601 = arith.constant 0 : i32
    %dma_wait3A_602 = tpu.memref_slice %arg12[%dma_wait3A_600, %dma_wait3A_601] : memref<16x512xf32, #tpu.memory_space<vmem>> -> memref<1x512xf32, #tpu.memory_space<vmem>>
    %dma_wait3A_603 = tpu.memref_squeeze %dma_wait3A_602 : memref<1x512xf32, #tpu.memory_space<vmem>> -> memref<512xf32, #tpu.memory_space<vmem>>
    %dma_wait3A_604 = arith.constant 0 : i32
    %dma_wait3A_605 = tpu.memref_slice %arg10[%dma_wait3A_599, %dma_wait3A_604] : memref<16x512xi32, #tpu.memory_space<vmem>> -> memref<1x512xi32, #tpu.memory_space<vmem>>
    %dma_wait3A_606 = tpu.memref_squeeze %dma_wait3A_605 : memref<1x512xi32, #tpu.memory_space<vmem>> -> memref<512xi32, #tpu.memory_space<vmem>>
    %dma_wait3A_607 = arith.constant 0 : i32
    %dma_wait3A_608 = tpu.memref_slice %arg4[%dma_wait3A_598, %dma_wait3A_607] : memref<16x1000000xf32, #tpu.memory_space<hbm>> -> memref<1x1000000xf32, #tpu.memory_space<hbm>>
    %dma_wait3A_609 = tpu.memref_squeeze %dma_wait3A_608 : memref<1x1000000xf32, #tpu.memory_space<hbm>> -> memref<1000000xf32, #tpu.memory_space<hbm>>
    %dma_wait3A_610 = arith.constant 0 : i32
    %dma_wait3A_611 = tpu.memref_slice %dma_wait3A_609[%dma_wait3A_610] : memref<1000000xf32, #tpu.memory_space<hbm>> -> memref<1000000xf32, #tpu.memory_space<hbm>>
    tpu.wait_indirect_dma semaphore(%arg16 : memref<!tpu.dma_semaphore, #tpu.memory_space<semaphore_mem>>) src(%dma_wait3A_611 : memref<1000000xf32, #tpu.memory_space<hbm>>) dst(%dma_wait3A_603 : memref<512xf32, #tpu.memory_space<vmem>>)
    %dma_wait3A_612 = arith.constant 0 : i32
    %dma_wait3A_613 = arith.constant 5 : i32
    %dma_wait3A_614 = arith.constant 5 : i32
    %dma_wait3A_615 = arith.constant 0 : i32
    %dma_wait3A_616 = tpu.memref_slice %arg13[%dma_wait3A_614, %dma_wait3A_615] : memref<16x512xf32, #tpu.memory_space<vmem>> -> memref<1x512xf32, #tpu.memory_space<vmem>>
    %dma_wait3A_617 = tpu.memref_squeeze %dma_wait3A_616 : memref<1x512xf32, #tpu.memory_space<vmem>> -> memref<512xf32, #tpu.memory_space<vmem>>
    %dma_wait3A_618 = arith.constant 0 : i32
    %dma_wait3A_619 = tpu.memref_slice %arg11[%dma_wait3A_613, %dma_wait3A_618] : memref<16x512xi32, #tpu.memory_space<vmem>> -> memref<1x512xi32, #tpu.memory_space<vmem>>
    %dma_wait3A_620 = tpu.memref_squeeze %dma_wait3A_619 : memref<1x512xi32, #tpu.memory_space<vmem>> -> memref<512xi32, #tpu.memory_space<vmem>>
    %dma_wait3A_621 = arith.constant 0 : i32
    %dma_wait3A_622 = tpu.memref_slice %arg5[%dma_wait3A_612, %dma_wait3A_621] : memref<16x100000xf32, #tpu.memory_space<hbm>> -> memref<1x100000xf32, #tpu.memory_space<hbm>>
    %dma_wait3A_623 = tpu.memref_squeeze %dma_wait3A_622 : memref<1x100000xf32, #tpu.memory_space<hbm>> -> memref<100000xf32, #tpu.memory_space<hbm>>
    %dma_wait3A_624 = arith.constant 0 : i32
    %dma_wait3A_625 = tpu.memref_slice %dma_wait3A_623[%dma_wait3A_624] : memref<100000xf32, #tpu.memory_space<hbm>> -> memref<100000xf32, #tpu.memory_space<hbm>>
    tpu.wait_indirect_dma semaphore(%arg16 : memref<!tpu.dma_semaphore, #tpu.memory_space<semaphore_mem>>) src(%dma_wait3A_625 : memref<100000xf32, #tpu.memory_space<hbm>>) dst(%dma_wait3A_617 : memref<512xf32, #tpu.memory_space<vmem>>)
    %dma_wait3A_626 = arith.constant 0 : i32
    %dma_wait3A_627 = arith.constant 6 : i32
    %dma_wait3A_628 = arith.constant 6 : i32
    %dma_wait3A_629 = arith.constant 0 : i32
    %dma_wait3A_630 = tpu.memref_slice %arg12[%dma_wait3A_628, %dma_wait3A_629] : memref<16x512xf32, #tpu.memory_space<vmem>> -> memref<1x512xf32, #tpu.memory_space<vmem>>
    %dma_wait3A_631 = tpu.memref_squeeze %dma_wait3A_630 : memref<1x512xf32, #tpu.memory_space<vmem>> -> memref<512xf32, #tpu.memory_space<vmem>>
    %dma_wait3A_632 = arith.constant 0 : i32
    %dma_wait3A_633 = tpu.memref_slice %arg10[%dma_wait3A_627, %dma_wait3A_632] : memref<16x512xi32, #tpu.memory_space<vmem>> -> memref<1x512xi32, #tpu.memory_space<vmem>>
    %dma_wait3A_634 = tpu.memref_squeeze %dma_wait3A_633 : memref<1x512xi32, #tpu.memory_space<vmem>> -> memref<512xi32, #tpu.memory_space<vmem>>
    %dma_wait3A_635 = arith.constant 0 : i32
    %dma_wait3A_636 = tpu.memref_slice %arg4[%dma_wait3A_626, %dma_wait3A_635] : memref<16x1000000xf32, #tpu.memory_space<hbm>> -> memref<1x1000000xf32, #tpu.memory_space<hbm>>
    %dma_wait3A_637 = tpu.memref_squeeze %dma_wait3A_636 : memref<1x1000000xf32, #tpu.memory_space<hbm>> -> memref<1000000xf32, #tpu.memory_space<hbm>>
    %dma_wait3A_638 = arith.constant 0 : i32
    %dma_wait3A_639 = tpu.memref_slice %dma_wait3A_637[%dma_wait3A_638] : memref<1000000xf32, #tpu.memory_space<hbm>> -> memref<1000000xf32, #tpu.memory_space<hbm>>
    tpu.wait_indirect_dma semaphore(%arg16 : memref<!tpu.dma_semaphore, #tpu.memory_space<semaphore_mem>>) src(%dma_wait3A_639 : memref<1000000xf32, #tpu.memory_space<hbm>>) dst(%dma_wait3A_631 : memref<512xf32, #tpu.memory_space<vmem>>)
    %dma_wait3A_640 = arith.constant 0 : i32
    %dma_wait3A_641 = arith.constant 6 : i32
    %dma_wait3A_642 = arith.constant 6 : i32
    %dma_wait3A_643 = arith.constant 0 : i32
    %dma_wait3A_644 = tpu.memref_slice %arg13[%dma_wait3A_642, %dma_wait3A_643] : memref<16x512xf32, #tpu.memory_space<vmem>> -> memref<1x512xf32, #tpu.memory_space<vmem>>
    %dma_wait3A_645 = tpu.memref_squeeze %dma_wait3A_644 : memref<1x512xf32, #tpu.memory_space<vmem>> -> memref<512xf32, #tpu.memory_space<vmem>>
    %dma_wait3A_646 = arith.constant 0 : i32
    %dma_wait3A_647 = tpu.memref_slice %arg11[%dma_wait3A_641, %dma_wait3A_646] : memref<16x512xi32, #tpu.memory_space<vmem>> -> memref<1x512xi32, #tpu.memory_space<vmem>>
    %dma_wait3A_648 = tpu.memref_squeeze %dma_wait3A_647 : memref<1x512xi32, #tpu.memory_space<vmem>> -> memref<512xi32, #tpu.memory_space<vmem>>
    %dma_wait3A_649 = arith.constant 0 : i32
    %dma_wait3A_650 = tpu.memref_slice %arg5[%dma_wait3A_640, %dma_wait3A_649] : memref<16x100000xf32, #tpu.memory_space<hbm>> -> memref<1x100000xf32, #tpu.memory_space<hbm>>
    %dma_wait3A_651 = tpu.memref_squeeze %dma_wait3A_650 : memref<1x100000xf32, #tpu.memory_space<hbm>> -> memref<100000xf32, #tpu.memory_space<hbm>>
    %dma_wait3A_652 = arith.constant 0 : i32
    %dma_wait3A_653 = tpu.memref_slice %dma_wait3A_651[%dma_wait3A_652] : memref<100000xf32, #tpu.memory_space<hbm>> -> memref<100000xf32, #tpu.memory_space<hbm>>
    tpu.wait_indirect_dma semaphore(%arg16 : memref<!tpu.dma_semaphore, #tpu.memory_space<semaphore_mem>>) src(%dma_wait3A_653 : memref<100000xf32, #tpu.memory_space<hbm>>) dst(%dma_wait3A_645 : memref<512xf32, #tpu.memory_space<vmem>>)
    %dma_wait3A_654 = arith.constant 0 : i32
    %dma_wait3A_655 = arith.constant 7 : i32
    %dma_wait3A_656 = arith.constant 7 : i32
    %dma_wait3A_657 = arith.constant 0 : i32
    %dma_wait3A_658 = tpu.memref_slice %arg12[%dma_wait3A_656, %dma_wait3A_657] : memref<16x512xf32, #tpu.memory_space<vmem>> -> memref<1x512xf32, #tpu.memory_space<vmem>>
    %dma_wait3A_659 = tpu.memref_squeeze %dma_wait3A_658 : memref<1x512xf32, #tpu.memory_space<vmem>> -> memref<512xf32, #tpu.memory_space<vmem>>
    %dma_wait3A_660 = arith.constant 0 : i32
    %dma_wait3A_661 = tpu.memref_slice %arg10[%dma_wait3A_655, %dma_wait3A_660] : memref<16x512xi32, #tpu.memory_space<vmem>> -> memref<1x512xi32, #tpu.memory_space<vmem>>
    %dma_wait3A_662 = tpu.memref_squeeze %dma_wait3A_661 : memref<1x512xi32, #tpu.memory_space<vmem>> -> memref<512xi32, #tpu.memory_space<vmem>>
    %dma_wait3A_663 = arith.constant 0 : i32
    %dma_wait3A_664 = tpu.memref_slice %arg4[%dma_wait3A_654, %dma_wait3A_663] : memref<16x1000000xf32, #tpu.memory_space<hbm>> -> memref<1x1000000xf32, #tpu.memory_space<hbm>>
    %dma_wait3A_665 = tpu.memref_squeeze %dma_wait3A_664 : memref<1x1000000xf32, #tpu.memory_space<hbm>> -> memref<1000000xf32, #tpu.memory_space<hbm>>
    %dma_wait3A_666 = arith.constant 0 : i32
    %dma_wait3A_667 = tpu.memref_slice %dma_wait3A_665[%dma_wait3A_666] : memref<1000000xf32, #tpu.memory_space<hbm>> -> memref<1000000xf32, #tpu.memory_space<hbm>>
    tpu.wait_indirect_dma semaphore(%arg16 : memref<!tpu.dma_semaphore, #tpu.memory_space<semaphore_mem>>) src(%dma_wait3A_667 : memref<1000000xf32, #tpu.memory_space<hbm>>) dst(%dma_wait3A_659 : memref<512xf32, #tpu.memory_space<vmem>>)
    %dma_wait3A_668 = arith.constant 0 : i32
    %dma_wait3A_669 = arith.constant 7 : i32
    %dma_wait3A_670 = arith.constant 7 : i32
    %dma_wait3A_671 = arith.constant 0 : i32
    %dma_wait3A_672 = tpu.memref_slice %arg13[%dma_wait3A_670, %dma_wait3A_671] : memref<16x512xf32, #tpu.memory_space<vmem>> -> memref<1x512xf32, #tpu.memory_space<vmem>>
    %dma_wait3A_673 = tpu.memref_squeeze %dma_wait3A_672 : memref<1x512xf32, #tpu.memory_space<vmem>> -> memref<512xf32, #tpu.memory_space<vmem>>
    %dma_wait3A_674 = arith.constant 0 : i32
    %dma_wait3A_675 = tpu.memref_slice %arg11[%dma_wait3A_669, %dma_wait3A_674] : memref<16x512xi32, #tpu.memory_space<vmem>> -> memref<1x512xi32, #tpu.memory_space<vmem>>
    %dma_wait3A_676 = tpu.memref_squeeze %dma_wait3A_675 : memref<1x512xi32, #tpu.memory_space<vmem>> -> memref<512xi32, #tpu.memory_space<vmem>>
    %dma_wait3A_677 = arith.constant 0 : i32
    %dma_wait3A_678 = tpu.memref_slice %arg5[%dma_wait3A_668, %dma_wait3A_677] : memref<16x100000xf32, #tpu.memory_space<hbm>> -> memref<1x100000xf32, #tpu.memory_space<hbm>>
    %dma_wait3A_679 = tpu.memref_squeeze %dma_wait3A_678 : memref<1x100000xf32, #tpu.memory_space<hbm>> -> memref<100000xf32, #tpu.memory_space<hbm>>
    %dma_wait3A_680 = arith.constant 0 : i32
    %dma_wait3A_681 = tpu.memref_slice %dma_wait3A_679[%dma_wait3A_680] : memref<100000xf32, #tpu.memory_space<hbm>> -> memref<100000xf32, #tpu.memory_space<hbm>>
    tpu.wait_indirect_dma semaphore(%arg16 : memref<!tpu.dma_semaphore, #tpu.memory_space<semaphore_mem>>) src(%dma_wait3A_681 : memref<100000xf32, #tpu.memory_space<hbm>>) dst(%dma_wait3A_673 : memref<512xf32, #tpu.memory_space<vmem>>)
    %dma_wait3A_682 = arith.constant 0 : i32
    %dma_wait3A_683 = arith.constant 8 : i32
    %dma_wait3A_684 = arith.constant 8 : i32
    %dma_wait3A_685 = arith.constant 0 : i32
    %dma_wait3A_686 = tpu.memref_slice %arg12[%dma_wait3A_684, %dma_wait3A_685] : memref<16x512xf32, #tpu.memory_space<vmem>> -> memref<1x512xf32, #tpu.memory_space<vmem>>
    %dma_wait3A_687 = tpu.memref_squeeze %dma_wait3A_686 : memref<1x512xf32, #tpu.memory_space<vmem>> -> memref<512xf32, #tpu.memory_space<vmem>>
    %dma_wait3A_688 = arith.constant 0 : i32
    %dma_wait3A_689 = tpu.memref_slice %arg10[%dma_wait3A_683, %dma_wait3A_688] : memref<16x512xi32, #tpu.memory_space<vmem>> -> memref<1x512xi32, #tpu.memory_space<vmem>>
    %dma_wait3A_690 = tpu.memref_squeeze %dma_wait3A_689 : memref<1x512xi32, #tpu.memory_space<vmem>> -> memref<512xi32, #tpu.memory_space<vmem>>
    %dma_wait3A_691 = arith.constant 0 : i32
    %dma_wait3A_692 = tpu.memref_slice %arg4[%dma_wait3A_682, %dma_wait3A_691] : memref<16x1000000xf32, #tpu.memory_space<hbm>> -> memref<1x1000000xf32, #tpu.memory_space<hbm>>
    %dma_wait3A_693 = tpu.memref_squeeze %dma_wait3A_692 : memref<1x1000000xf32, #tpu.memory_space<hbm>> -> memref<1000000xf32, #tpu.memory_space<hbm>>
    %dma_wait3A_694 = arith.constant 0 : i32
    %dma_wait3A_695 = tpu.memref_slice %dma_wait3A_693[%dma_wait3A_694] : memref<1000000xf32, #tpu.memory_space<hbm>> -> memref<1000000xf32, #tpu.memory_space<hbm>>
    tpu.wait_indirect_dma semaphore(%arg16 : memref<!tpu.dma_semaphore, #tpu.memory_space<semaphore_mem>>) src(%dma_wait3A_695 : memref<1000000xf32, #tpu.memory_space<hbm>>) dst(%dma_wait3A_687 : memref<512xf32, #tpu.memory_space<vmem>>)
    %dma_wait3A_696 = arith.constant 0 : i32
    %dma_wait3A_697 = arith.constant 8 : i32
    %dma_wait3A_698 = arith.constant 8 : i32
    %dma_wait3A_699 = arith.constant 0 : i32
    %dma_wait3A_700 = tpu.memref_slice %arg13[%dma_wait3A_698, %dma_wait3A_699] : memref<16x512xf32, #tpu.memory_space<vmem>> -> memref<1x512xf32, #tpu.memory_space<vmem>>
    %dma_wait3A_701 = tpu.memref_squeeze %dma_wait3A_700 : memref<1x512xf32, #tpu.memory_space<vmem>> -> memref<512xf32, #tpu.memory_space<vmem>>
    %dma_wait3A_702 = arith.constant 0 : i32
    %dma_wait3A_703 = tpu.memref_slice %arg11[%dma_wait3A_697, %dma_wait3A_702] : memref<16x512xi32, #tpu.memory_space<vmem>> -> memref<1x512xi32, #tpu.memory_space<vmem>>
    %dma_wait3A_704 = tpu.memref_squeeze %dma_wait3A_703 : memref<1x512xi32, #tpu.memory_space<vmem>> -> memref<512xi32, #tpu.memory_space<vmem>>
    %dma_wait3A_705 = arith.constant 0 : i32
    %dma_wait3A_706 = tpu.memref_slice %arg5[%dma_wait3A_696, %dma_wait3A_705] : memref<16x100000xf32, #tpu.memory_space<hbm>> -> memref<1x100000xf32, #tpu.memory_space<hbm>>
    %dma_wait3A_707 = tpu.memref_squeeze %dma_wait3A_706 : memref<1x100000xf32, #tpu.memory_space<hbm>> -> memref<100000xf32, #tpu.memory_space<hbm>>
    %dma_wait3A_708 = arith.constant 0 : i32
    %dma_wait3A_709 = tpu.memref_slice %dma_wait3A_707[%dma_wait3A_708] : memref<100000xf32, #tpu.memory_space<hbm>> -> memref<100000xf32, #tpu.memory_space<hbm>>
    tpu.wait_indirect_dma semaphore(%arg16 : memref<!tpu.dma_semaphore, #tpu.memory_space<semaphore_mem>>) src(%dma_wait3A_709 : memref<100000xf32, #tpu.memory_space<hbm>>) dst(%dma_wait3A_701 : memref<512xf32, #tpu.memory_space<vmem>>)
    %dma_wait3A_710 = arith.constant 0 : i32
    %dma_wait3A_711 = arith.constant 9 : i32
    %dma_wait3A_712 = arith.constant 9 : i32
    %dma_wait3A_713 = arith.constant 0 : i32
    %dma_wait3A_714 = tpu.memref_slice %arg12[%dma_wait3A_712, %dma_wait3A_713] : memref<16x512xf32, #tpu.memory_space<vmem>> -> memref<1x512xf32, #tpu.memory_space<vmem>>
    %dma_wait3A_715 = tpu.memref_squeeze %dma_wait3A_714 : memref<1x512xf32, #tpu.memory_space<vmem>> -> memref<512xf32, #tpu.memory_space<vmem>>
    %dma_wait3A_716 = arith.constant 0 : i32
    %dma_wait3A_717 = tpu.memref_slice %arg10[%dma_wait3A_711, %dma_wait3A_716] : memref<16x512xi32, #tpu.memory_space<vmem>> -> memref<1x512xi32, #tpu.memory_space<vmem>>
    %dma_wait3A_718 = tpu.memref_squeeze %dma_wait3A_717 : memref<1x512xi32, #tpu.memory_space<vmem>> -> memref<512xi32, #tpu.memory_space<vmem>>
    %dma_wait3A_719 = arith.constant 0 : i32
    %dma_wait3A_720 = tpu.memref_slice %arg4[%dma_wait3A_710, %dma_wait3A_719] : memref<16x1000000xf32, #tpu.memory_space<hbm>> -> memref<1x1000000xf32, #tpu.memory_space<hbm>>
    %dma_wait3A_721 = tpu.memref_squeeze %dma_wait3A_720 : memref<1x1000000xf32, #tpu.memory_space<hbm>> -> memref<1000000xf32, #tpu.memory_space<hbm>>
    %dma_wait3A_722 = arith.constant 0 : i32
    %dma_wait3A_723 = tpu.memref_slice %dma_wait3A_721[%dma_wait3A_722] : memref<1000000xf32, #tpu.memory_space<hbm>> -> memref<1000000xf32, #tpu.memory_space<hbm>>
    tpu.wait_indirect_dma semaphore(%arg16 : memref<!tpu.dma_semaphore, #tpu.memory_space<semaphore_mem>>) src(%dma_wait3A_723 : memref<1000000xf32, #tpu.memory_space<hbm>>) dst(%dma_wait3A_715 : memref<512xf32, #tpu.memory_space<vmem>>)
    %dma_wait3A_724 = arith.constant 0 : i32
    %dma_wait3A_725 = arith.constant 9 : i32
    %dma_wait3A_726 = arith.constant 9 : i32
    %dma_wait3A_727 = arith.constant 0 : i32
    %dma_wait3A_728 = tpu.memref_slice %arg13[%dma_wait3A_726, %dma_wait3A_727] : memref<16x512xf32, #tpu.memory_space<vmem>> -> memref<1x512xf32, #tpu.memory_space<vmem>>
    %dma_wait3A_729 = tpu.memref_squeeze %dma_wait3A_728 : memref<1x512xf32, #tpu.memory_space<vmem>> -> memref<512xf32, #tpu.memory_space<vmem>>
    %dma_wait3A_730 = arith.constant 0 : i32
    %dma_wait3A_731 = tpu.memref_slice %arg11[%dma_wait3A_725, %dma_wait3A_730] : memref<16x512xi32, #tpu.memory_space<vmem>> -> memref<1x512xi32, #tpu.memory_space<vmem>>
    %dma_wait3A_732 = tpu.memref_squeeze %dma_wait3A_731 : memref<1x512xi32, #tpu.memory_space<vmem>> -> memref<512xi32, #tpu.memory_space<vmem>>
    %dma_wait3A_733 = arith.constant 0 : i32
    %dma_wait3A_734 = tpu.memref_slice %arg5[%dma_wait3A_724, %dma_wait3A_733] : memref<16x100000xf32, #tpu.memory_space<hbm>> -> memref<1x100000xf32, #tpu.memory_space<hbm>>
    %dma_wait3A_735 = tpu.memref_squeeze %dma_wait3A_734 : memref<1x100000xf32, #tpu.memory_space<hbm>> -> memref<100000xf32, #tpu.memory_space<hbm>>
    %dma_wait3A_736 = arith.constant 0 : i32
    %dma_wait3A_737 = tpu.memref_slice %dma_wait3A_735[%dma_wait3A_736] : memref<100000xf32, #tpu.memory_space<hbm>> -> memref<100000xf32, #tpu.memory_space<hbm>>
    tpu.wait_indirect_dma semaphore(%arg16 : memref<!tpu.dma_semaphore, #tpu.memory_space<semaphore_mem>>) src(%dma_wait3A_737 : memref<100000xf32, #tpu.memory_space<hbm>>) dst(%dma_wait3A_729 : memref<512xf32, #tpu.memory_space<vmem>>)
    %dma_wait3A_738 = arith.constant 0 : i32
    %dma_wait3A_739 = arith.constant 10 : i32
    %dma_wait3A_740 = arith.constant 10 : i32
    %dma_wait3A_741 = arith.constant 0 : i32
    %dma_wait3A_742 = tpu.memref_slice %arg12[%dma_wait3A_740, %dma_wait3A_741] : memref<16x512xf32, #tpu.memory_space<vmem>> -> memref<1x512xf32, #tpu.memory_space<vmem>>
    %dma_wait3A_743 = tpu.memref_squeeze %dma_wait3A_742 : memref<1x512xf32, #tpu.memory_space<vmem>> -> memref<512xf32, #tpu.memory_space<vmem>>
    %dma_wait3A_744 = arith.constant 0 : i32
    %dma_wait3A_745 = tpu.memref_slice %arg10[%dma_wait3A_739, %dma_wait3A_744] : memref<16x512xi32, #tpu.memory_space<vmem>> -> memref<1x512xi32, #tpu.memory_space<vmem>>
    %dma_wait3A_746 = tpu.memref_squeeze %dma_wait3A_745 : memref<1x512xi32, #tpu.memory_space<vmem>> -> memref<512xi32, #tpu.memory_space<vmem>>
    %dma_wait3A_747 = arith.constant 0 : i32
    %dma_wait3A_748 = tpu.memref_slice %arg4[%dma_wait3A_738, %dma_wait3A_747] : memref<16x1000000xf32, #tpu.memory_space<hbm>> -> memref<1x1000000xf32, #tpu.memory_space<hbm>>
    %dma_wait3A_749 = tpu.memref_squeeze %dma_wait3A_748 : memref<1x1000000xf32, #tpu.memory_space<hbm>> -> memref<1000000xf32, #tpu.memory_space<hbm>>
    %dma_wait3A_750 = arith.constant 0 : i32
    %dma_wait3A_751 = tpu.memref_slice %dma_wait3A_749[%dma_wait3A_750] : memref<1000000xf32, #tpu.memory_space<hbm>> -> memref<1000000xf32, #tpu.memory_space<hbm>>
    tpu.wait_indirect_dma semaphore(%arg16 : memref<!tpu.dma_semaphore, #tpu.memory_space<semaphore_mem>>) src(%dma_wait3A_751 : memref<1000000xf32, #tpu.memory_space<hbm>>) dst(%dma_wait3A_743 : memref<512xf32, #tpu.memory_space<vmem>>)
    %dma_wait3A_752 = arith.constant 0 : i32
    %dma_wait3A_753 = arith.constant 10 : i32
    %dma_wait3A_754 = arith.constant 10 : i32
    %dma_wait3A_755 = arith.constant 0 : i32
    %dma_wait3A_756 = tpu.memref_slice %arg13[%dma_wait3A_754, %dma_wait3A_755] : memref<16x512xf32, #tpu.memory_space<vmem>> -> memref<1x512xf32, #tpu.memory_space<vmem>>
    %dma_wait3A_757 = tpu.memref_squeeze %dma_wait3A_756 : memref<1x512xf32, #tpu.memory_space<vmem>> -> memref<512xf32, #tpu.memory_space<vmem>>
    %dma_wait3A_758 = arith.constant 0 : i32
    %dma_wait3A_759 = tpu.memref_slice %arg11[%dma_wait3A_753, %dma_wait3A_758] : memref<16x512xi32, #tpu.memory_space<vmem>> -> memref<1x512xi32, #tpu.memory_space<vmem>>
    %dma_wait3A_760 = tpu.memref_squeeze %dma_wait3A_759 : memref<1x512xi32, #tpu.memory_space<vmem>> -> memref<512xi32, #tpu.memory_space<vmem>>
    %dma_wait3A_761 = arith.constant 0 : i32
    %dma_wait3A_762 = tpu.memref_slice %arg5[%dma_wait3A_752, %dma_wait3A_761] : memref<16x100000xf32, #tpu.memory_space<hbm>> -> memref<1x100000xf32, #tpu.memory_space<hbm>>
    %dma_wait3A_763 = tpu.memref_squeeze %dma_wait3A_762 : memref<1x100000xf32, #tpu.memory_space<hbm>> -> memref<100000xf32, #tpu.memory_space<hbm>>
    %dma_wait3A_764 = arith.constant 0 : i32
    %dma_wait3A_765 = tpu.memref_slice %dma_wait3A_763[%dma_wait3A_764] : memref<100000xf32, #tpu.memory_space<hbm>> -> memref<100000xf32, #tpu.memory_space<hbm>>
    tpu.wait_indirect_dma semaphore(%arg16 : memref<!tpu.dma_semaphore, #tpu.memory_space<semaphore_mem>>) src(%dma_wait3A_765 : memref<100000xf32, #tpu.memory_space<hbm>>) dst(%dma_wait3A_757 : memref<512xf32, #tpu.memory_space<vmem>>)
    %dma_wait3A_766 = arith.constant 0 : i32
    %dma_wait3A_767 = arith.constant 11 : i32
    %dma_wait3A_768 = arith.constant 11 : i32
    %dma_wait3A_769 = arith.constant 0 : i32
    %dma_wait3A_770 = tpu.memref_slice %arg12[%dma_wait3A_768, %dma_wait3A_769] : memref<16x512xf32, #tpu.memory_space<vmem>> -> memref<1x512xf32, #tpu.memory_space<vmem>>
    %dma_wait3A_771 = tpu.memref_squeeze %dma_wait3A_770 : memref<1x512xf32, #tpu.memory_space<vmem>> -> memref<512xf32, #tpu.memory_space<vmem>>
    %dma_wait3A_772 = arith.constant 0 : i32
    %dma_wait3A_773 = tpu.memref_slice %arg10[%dma_wait3A_767, %dma_wait3A_772] : memref<16x512xi32, #tpu.memory_space<vmem>> -> memref<1x512xi32, #tpu.memory_space<vmem>>
    %dma_wait3A_774 = tpu.memref_squeeze %dma_wait3A_773 : memref<1x512xi32, #tpu.memory_space<vmem>> -> memref<512xi32, #tpu.memory_space<vmem>>
    %dma_wait3A_775 = arith.constant 0 : i32
    %dma_wait3A_776 = tpu.memref_slice %arg4[%dma_wait3A_766, %dma_wait3A_775] : memref<16x1000000xf32, #tpu.memory_space<hbm>> -> memref<1x1000000xf32, #tpu.memory_space<hbm>>
    %dma_wait3A_777 = tpu.memref_squeeze %dma_wait3A_776 : memref<1x1000000xf32, #tpu.memory_space<hbm>> -> memref<1000000xf32, #tpu.memory_space<hbm>>
    %dma_wait3A_778 = arith.constant 0 : i32
    %dma_wait3A_779 = tpu.memref_slice %dma_wait3A_777[%dma_wait3A_778] : memref<1000000xf32, #tpu.memory_space<hbm>> -> memref<1000000xf32, #tpu.memory_space<hbm>>
    tpu.wait_indirect_dma semaphore(%arg16 : memref<!tpu.dma_semaphore, #tpu.memory_space<semaphore_mem>>) src(%dma_wait3A_779 : memref<1000000xf32, #tpu.memory_space<hbm>>) dst(%dma_wait3A_771 : memref<512xf32, #tpu.memory_space<vmem>>)
    %dma_wait3A_780 = arith.constant 0 : i32
    %dma_wait3A_781 = arith.constant 11 : i32
    %dma_wait3A_782 = arith.constant 11 : i32
    %dma_wait3A_783 = arith.constant 0 : i32
    %dma_wait3A_784 = tpu.memref_slice %arg13[%dma_wait3A_782, %dma_wait3A_783] : memref<16x512xf32, #tpu.memory_space<vmem>> -> memref<1x512xf32, #tpu.memory_space<vmem>>
    %dma_wait3A_785 = tpu.memref_squeeze %dma_wait3A_784 : memref<1x512xf32, #tpu.memory_space<vmem>> -> memref<512xf32, #tpu.memory_space<vmem>>
    %dma_wait3A_786 = arith.constant 0 : i32
    %dma_wait3A_787 = tpu.memref_slice %arg11[%dma_wait3A_781, %dma_wait3A_786] : memref<16x512xi32, #tpu.memory_space<vmem>> -> memref<1x512xi32, #tpu.memory_space<vmem>>
    %dma_wait3A_788 = tpu.memref_squeeze %dma_wait3A_787 : memref<1x512xi32, #tpu.memory_space<vmem>> -> memref<512xi32, #tpu.memory_space<vmem>>
    %dma_wait3A_789 = arith.constant 0 : i32
    %dma_wait3A_790 = tpu.memref_slice %arg5[%dma_wait3A_780, %dma_wait3A_789] : memref<16x100000xf32, #tpu.memory_space<hbm>> -> memref<1x100000xf32, #tpu.memory_space<hbm>>
    %dma_wait3A_791 = tpu.memref_squeeze %dma_wait3A_790 : memref<1x100000xf32, #tpu.memory_space<hbm>> -> memref<100000xf32, #tpu.memory_space<hbm>>
    %dma_wait3A_792 = arith.constant 0 : i32
    %dma_wait3A_793 = tpu.memref_slice %dma_wait3A_791[%dma_wait3A_792] : memref<100000xf32, #tpu.memory_space<hbm>> -> memref<100000xf32, #tpu.memory_space<hbm>>
    tpu.wait_indirect_dma semaphore(%arg16 : memref<!tpu.dma_semaphore, #tpu.memory_space<semaphore_mem>>) src(%dma_wait3A_793 : memref<100000xf32, #tpu.memory_space<hbm>>) dst(%dma_wait3A_785 : memref<512xf32, #tpu.memory_space<vmem>>)
    %dma_wait3A_794 = arith.constant 0 : i32
    %dma_wait3A_795 = arith.constant 12 : i32
    %dma_wait3A_796 = arith.constant 12 : i32
    %dma_wait3A_797 = arith.constant 0 : i32
    %dma_wait3A_798 = tpu.memref_slice %arg12[%dma_wait3A_796, %dma_wait3A_797] : memref<16x512xf32, #tpu.memory_space<vmem>> -> memref<1x512xf32, #tpu.memory_space<vmem>>
    %dma_wait3A_799 = tpu.memref_squeeze %dma_wait3A_798 : memref<1x512xf32, #tpu.memory_space<vmem>> -> memref<512xf32, #tpu.memory_space<vmem>>
    %dma_wait3A_800 = arith.constant 0 : i32
    %dma_wait3A_801 = tpu.memref_slice %arg10[%dma_wait3A_795, %dma_wait3A_800] : memref<16x512xi32, #tpu.memory_space<vmem>> -> memref<1x512xi32, #tpu.memory_space<vmem>>
    %dma_wait3A_802 = tpu.memref_squeeze %dma_wait3A_801 : memref<1x512xi32, #tpu.memory_space<vmem>> -> memref<512xi32, #tpu.memory_space<vmem>>
    %dma_wait3A_803 = arith.constant 0 : i32
    %dma_wait3A_804 = tpu.memref_slice %arg4[%dma_wait3A_794, %dma_wait3A_803] : memref<16x1000000xf32, #tpu.memory_space<hbm>> -> memref<1x1000000xf32, #tpu.memory_space<hbm>>
    %dma_wait3A_805 = tpu.memref_squeeze %dma_wait3A_804 : memref<1x1000000xf32, #tpu.memory_space<hbm>> -> memref<1000000xf32, #tpu.memory_space<hbm>>
    %dma_wait3A_806 = arith.constant 0 : i32
    %dma_wait3A_807 = tpu.memref_slice %dma_wait3A_805[%dma_wait3A_806] : memref<1000000xf32, #tpu.memory_space<hbm>> -> memref<1000000xf32, #tpu.memory_space<hbm>>
    tpu.wait_indirect_dma semaphore(%arg16 : memref<!tpu.dma_semaphore, #tpu.memory_space<semaphore_mem>>) src(%dma_wait3A_807 : memref<1000000xf32, #tpu.memory_space<hbm>>) dst(%dma_wait3A_799 : memref<512xf32, #tpu.memory_space<vmem>>)
    %dma_wait3A_808 = arith.constant 0 : i32
    %dma_wait3A_809 = arith.constant 12 : i32
    %dma_wait3A_810 = arith.constant 12 : i32
    %dma_wait3A_811 = arith.constant 0 : i32
    %dma_wait3A_812 = tpu.memref_slice %arg13[%dma_wait3A_810, %dma_wait3A_811] : memref<16x512xf32, #tpu.memory_space<vmem>> -> memref<1x512xf32, #tpu.memory_space<vmem>>
    %dma_wait3A_813 = tpu.memref_squeeze %dma_wait3A_812 : memref<1x512xf32, #tpu.memory_space<vmem>> -> memref<512xf32, #tpu.memory_space<vmem>>
    %dma_wait3A_814 = arith.constant 0 : i32
    %dma_wait3A_815 = tpu.memref_slice %arg11[%dma_wait3A_809, %dma_wait3A_814] : memref<16x512xi32, #tpu.memory_space<vmem>> -> memref<1x512xi32, #tpu.memory_space<vmem>>
    %dma_wait3A_816 = tpu.memref_squeeze %dma_wait3A_815 : memref<1x512xi32, #tpu.memory_space<vmem>> -> memref<512xi32, #tpu.memory_space<vmem>>
    %dma_wait3A_817 = arith.constant 0 : i32
    %dma_wait3A_818 = tpu.memref_slice %arg5[%dma_wait3A_808, %dma_wait3A_817] : memref<16x100000xf32, #tpu.memory_space<hbm>> -> memref<1x100000xf32, #tpu.memory_space<hbm>>
    %dma_wait3A_819 = tpu.memref_squeeze %dma_wait3A_818 : memref<1x100000xf32, #tpu.memory_space<hbm>> -> memref<100000xf32, #tpu.memory_space<hbm>>
    %dma_wait3A_820 = arith.constant 0 : i32
    %dma_wait3A_821 = tpu.memref_slice %dma_wait3A_819[%dma_wait3A_820] : memref<100000xf32, #tpu.memory_space<hbm>> -> memref<100000xf32, #tpu.memory_space<hbm>>
    tpu.wait_indirect_dma semaphore(%arg16 : memref<!tpu.dma_semaphore, #tpu.memory_space<semaphore_mem>>) src(%dma_wait3A_821 : memref<100000xf32, #tpu.memory_space<hbm>>) dst(%dma_wait3A_813 : memref<512xf32, #tpu.memory_space<vmem>>)
    %dma_wait3A_822 = arith.constant 0 : i32
    %dma_wait3A_823 = arith.constant 13 : i32
    %dma_wait3A_824 = arith.constant 13 : i32
    %dma_wait3A_825 = arith.constant 0 : i32
    %dma_wait3A_826 = tpu.memref_slice %arg12[%dma_wait3A_824, %dma_wait3A_825] : memref<16x512xf32, #tpu.memory_space<vmem>> -> memref<1x512xf32, #tpu.memory_space<vmem>>
    %dma_wait3A_827 = tpu.memref_squeeze %dma_wait3A_826 : memref<1x512xf32, #tpu.memory_space<vmem>> -> memref<512xf32, #tpu.memory_space<vmem>>
    %dma_wait3A_828 = arith.constant 0 : i32
    %dma_wait3A_829 = tpu.memref_slice %arg10[%dma_wait3A_823, %dma_wait3A_828] : memref<16x512xi32, #tpu.memory_space<vmem>> -> memref<1x512xi32, #tpu.memory_space<vmem>>
    %dma_wait3A_830 = tpu.memref_squeeze %dma_wait3A_829 : memref<1x512xi32, #tpu.memory_space<vmem>> -> memref<512xi32, #tpu.memory_space<vmem>>
    %dma_wait3A_831 = arith.constant 0 : i32
    %dma_wait3A_832 = tpu.memref_slice %arg4[%dma_wait3A_822, %dma_wait3A_831] : memref<16x1000000xf32, #tpu.memory_space<hbm>> -> memref<1x1000000xf32, #tpu.memory_space<hbm>>
    %dma_wait3A_833 = tpu.memref_squeeze %dma_wait3A_832 : memref<1x1000000xf32, #tpu.memory_space<hbm>> -> memref<1000000xf32, #tpu.memory_space<hbm>>
    %dma_wait3A_834 = arith.constant 0 : i32
    %dma_wait3A_835 = tpu.memref_slice %dma_wait3A_833[%dma_wait3A_834] : memref<1000000xf32, #tpu.memory_space<hbm>> -> memref<1000000xf32, #tpu.memory_space<hbm>>
    tpu.wait_indirect_dma semaphore(%arg16 : memref<!tpu.dma_semaphore, #tpu.memory_space<semaphore_mem>>) src(%dma_wait3A_835 : memref<1000000xf32, #tpu.memory_space<hbm>>) dst(%dma_wait3A_827 : memref<512xf32, #tpu.memory_space<vmem>>)
    %dma_wait3A_836 = arith.constant 0 : i32
    %dma_wait3A_837 = arith.constant 13 : i32
    %dma_wait3A_838 = arith.constant 13 : i32
    %dma_wait3A_839 = arith.constant 0 : i32
    %dma_wait3A_840 = tpu.memref_slice %arg13[%dma_wait3A_838, %dma_wait3A_839] : memref<16x512xf32, #tpu.memory_space<vmem>> -> memref<1x512xf32, #tpu.memory_space<vmem>>
    %dma_wait3A_841 = tpu.memref_squeeze %dma_wait3A_840 : memref<1x512xf32, #tpu.memory_space<vmem>> -> memref<512xf32, #tpu.memory_space<vmem>>
    %dma_wait3A_842 = arith.constant 0 : i32
    %dma_wait3A_843 = tpu.memref_slice %arg11[%dma_wait3A_837, %dma_wait3A_842] : memref<16x512xi32, #tpu.memory_space<vmem>> -> memref<1x512xi32, #tpu.memory_space<vmem>>
    %dma_wait3A_844 = tpu.memref_squeeze %dma_wait3A_843 : memref<1x512xi32, #tpu.memory_space<vmem>> -> memref<512xi32, #tpu.memory_space<vmem>>
    %dma_wait3A_845 = arith.constant 0 : i32
    %dma_wait3A_846 = tpu.memref_slice %arg5[%dma_wait3A_836, %dma_wait3A_845] : memref<16x100000xf32, #tpu.memory_space<hbm>> -> memref<1x100000xf32, #tpu.memory_space<hbm>>
    %dma_wait3A_847 = tpu.memref_squeeze %dma_wait3A_846 : memref<1x100000xf32, #tpu.memory_space<hbm>> -> memref<100000xf32, #tpu.memory_space<hbm>>
    %dma_wait3A_848 = arith.constant 0 : i32
    %dma_wait3A_849 = tpu.memref_slice %dma_wait3A_847[%dma_wait3A_848] : memref<100000xf32, #tpu.memory_space<hbm>> -> memref<100000xf32, #tpu.memory_space<hbm>>
    tpu.wait_indirect_dma semaphore(%arg16 : memref<!tpu.dma_semaphore, #tpu.memory_space<semaphore_mem>>) src(%dma_wait3A_849 : memref<100000xf32, #tpu.memory_space<hbm>>) dst(%dma_wait3A_841 : memref<512xf32, #tpu.memory_space<vmem>>)
    %dma_wait3A_850 = arith.constant 0 : i32
    %dma_wait3A_851 = arith.constant 14 : i32
    %dma_wait3A_852 = arith.constant 14 : i32
    %dma_wait3A_853 = arith.constant 0 : i32
    %dma_wait3A_854 = tpu.memref_slice %arg12[%dma_wait3A_852, %dma_wait3A_853] : memref<16x512xf32, #tpu.memory_space<vmem>> -> memref<1x512xf32, #tpu.memory_space<vmem>>
    %dma_wait3A_855 = tpu.memref_squeeze %dma_wait3A_854 : memref<1x512xf32, #tpu.memory_space<vmem>> -> memref<512xf32, #tpu.memory_space<vmem>>
    %dma_wait3A_856 = arith.constant 0 : i32
    %dma_wait3A_857 = tpu.memref_slice %arg10[%dma_wait3A_851, %dma_wait3A_856] : memref<16x512xi32, #tpu.memory_space<vmem>> -> memref<1x512xi32, #tpu.memory_space<vmem>>
    %dma_wait3A_858 = tpu.memref_squeeze %dma_wait3A_857 : memref<1x512xi32, #tpu.memory_space<vmem>> -> memref<512xi32, #tpu.memory_space<vmem>>
    %dma_wait3A_859 = arith.constant 0 : i32
    %dma_wait3A_860 = tpu.memref_slice %arg4[%dma_wait3A_850, %dma_wait3A_859] : memref<16x1000000xf32, #tpu.memory_space<hbm>> -> memref<1x1000000xf32, #tpu.memory_space<hbm>>
    %dma_wait3A_861 = tpu.memref_squeeze %dma_wait3A_860 : memref<1x1000000xf32, #tpu.memory_space<hbm>> -> memref<1000000xf32, #tpu.memory_space<hbm>>
    %dma_wait3A_862 = arith.constant 0 : i32
    %dma_wait3A_863 = tpu.memref_slice %dma_wait3A_861[%dma_wait3A_862] : memref<1000000xf32, #tpu.memory_space<hbm>> -> memref<1000000xf32, #tpu.memory_space<hbm>>
    tpu.wait_indirect_dma semaphore(%arg16 : memref<!tpu.dma_semaphore, #tpu.memory_space<semaphore_mem>>) src(%dma_wait3A_863 : memref<1000000xf32, #tpu.memory_space<hbm>>) dst(%dma_wait3A_855 : memref<512xf32, #tpu.memory_space<vmem>>)
    %dma_wait3A_864 = arith.constant 0 : i32
    %dma_wait3A_865 = arith.constant 14 : i32
    %dma_wait3A_866 = arith.constant 14 : i32
    %dma_wait3A_867 = arith.constant 0 : i32
    %dma_wait3A_868 = tpu.memref_slice %arg13[%dma_wait3A_866, %dma_wait3A_867] : memref<16x512xf32, #tpu.memory_space<vmem>> -> memref<1x512xf32, #tpu.memory_space<vmem>>
    %dma_wait3A_869 = tpu.memref_squeeze %dma_wait3A_868 : memref<1x512xf32, #tpu.memory_space<vmem>> -> memref<512xf32, #tpu.memory_space<vmem>>
    %dma_wait3A_870 = arith.constant 0 : i32
    %dma_wait3A_871 = tpu.memref_slice %arg11[%dma_wait3A_865, %dma_wait3A_870] : memref<16x512xi32, #tpu.memory_space<vmem>> -> memref<1x512xi32, #tpu.memory_space<vmem>>
    %dma_wait3A_872 = tpu.memref_squeeze %dma_wait3A_871 : memref<1x512xi32, #tpu.memory_space<vmem>> -> memref<512xi32, #tpu.memory_space<vmem>>
    %dma_wait3A_873 = arith.constant 0 : i32
    %dma_wait3A_874 = tpu.memref_slice %arg5[%dma_wait3A_864, %dma_wait3A_873] : memref<16x100000xf32, #tpu.memory_space<hbm>> -> memref<1x100000xf32, #tpu.memory_space<hbm>>
    %dma_wait3A_875 = tpu.memref_squeeze %dma_wait3A_874 : memref<1x100000xf32, #tpu.memory_space<hbm>> -> memref<100000xf32, #tpu.memory_space<hbm>>
    %dma_wait3A_876 = arith.constant 0 : i32
    %dma_wait3A_877 = tpu.memref_slice %dma_wait3A_875[%dma_wait3A_876] : memref<100000xf32, #tpu.memory_space<hbm>> -> memref<100000xf32, #tpu.memory_space<hbm>>
    tpu.wait_indirect_dma semaphore(%arg16 : memref<!tpu.dma_semaphore, #tpu.memory_space<semaphore_mem>>) src(%dma_wait3A_877 : memref<100000xf32, #tpu.memory_space<hbm>>) dst(%dma_wait3A_869 : memref<512xf32, #tpu.memory_space<vmem>>)
    %dma_wait3A_878 = arith.constant 0 : i32
    %dma_wait3A_879 = arith.constant 15 : i32
    %dma_wait3A_880 = arith.constant 15 : i32
    %dma_wait3A_881 = arith.constant 0 : i32
    %dma_wait3A_882 = tpu.memref_slice %arg12[%dma_wait3A_880, %dma_wait3A_881] : memref<16x512xf32, #tpu.memory_space<vmem>> -> memref<1x512xf32, #tpu.memory_space<vmem>>
    %dma_wait3A_883 = tpu.memref_squeeze %dma_wait3A_882 : memref<1x512xf32, #tpu.memory_space<vmem>> -> memref<512xf32, #tpu.memory_space<vmem>>
    %dma_wait3A_884 = arith.constant 0 : i32
    %dma_wait3A_885 = tpu.memref_slice %arg10[%dma_wait3A_879, %dma_wait3A_884] : memref<16x512xi32, #tpu.memory_space<vmem>> -> memref<1x512xi32, #tpu.memory_space<vmem>>
    %dma_wait3A_886 = tpu.memref_squeeze %dma_wait3A_885 : memref<1x512xi32, #tpu.memory_space<vmem>> -> memref<512xi32, #tpu.memory_space<vmem>>
    %dma_wait3A_887 = arith.constant 0 : i32
    %dma_wait3A_888 = tpu.memref_slice %arg4[%dma_wait3A_878, %dma_wait3A_887] : memref<16x1000000xf32, #tpu.memory_space<hbm>> -> memref<1x1000000xf32, #tpu.memory_space<hbm>>
    %dma_wait3A_889 = tpu.memref_squeeze %dma_wait3A_888 : memref<1x1000000xf32, #tpu.memory_space<hbm>> -> memref<1000000xf32, #tpu.memory_space<hbm>>
    %dma_wait3A_890 = arith.constant 0 : i32
    %dma_wait3A_891 = tpu.memref_slice %dma_wait3A_889[%dma_wait3A_890] : memref<1000000xf32, #tpu.memory_space<hbm>> -> memref<1000000xf32, #tpu.memory_space<hbm>>
    tpu.wait_indirect_dma semaphore(%arg16 : memref<!tpu.dma_semaphore, #tpu.memory_space<semaphore_mem>>) src(%dma_wait3A_891 : memref<1000000xf32, #tpu.memory_space<hbm>>) dst(%dma_wait3A_883 : memref<512xf32, #tpu.memory_space<vmem>>)
    %dma_wait3A_892 = arith.constant 0 : i32
    %dma_wait3A_893 = arith.constant 15 : i32
    %dma_wait3A_894 = arith.constant 15 : i32
    %dma_wait3A_895 = arith.constant 0 : i32
    %dma_wait3A_896 = tpu.memref_slice %arg13[%dma_wait3A_894, %dma_wait3A_895] : memref<16x512xf32, #tpu.memory_space<vmem>> -> memref<1x512xf32, #tpu.memory_space<vmem>>
    %dma_wait3A_897 = tpu.memref_squeeze %dma_wait3A_896 : memref<1x512xf32, #tpu.memory_space<vmem>> -> memref<512xf32, #tpu.memory_space<vmem>>
    %dma_wait3A_898 = arith.constant 0 : i32
    %dma_wait3A_899 = tpu.memref_slice %arg11[%dma_wait3A_893, %dma_wait3A_898] : memref<16x512xi32, #tpu.memory_space<vmem>> -> memref<1x512xi32, #tpu.memory_space<vmem>>
    %dma_wait3A_900 = tpu.memref_squeeze %dma_wait3A_899 : memref<1x512xi32, #tpu.memory_space<vmem>> -> memref<512xi32, #tpu.memory_space<vmem>>
    %dma_wait3A_901 = arith.constant 0 : i32
    %dma_wait3A_902 = tpu.memref_slice %arg5[%dma_wait3A_892, %dma_wait3A_901] : memref<16x100000xf32, #tpu.memory_space<hbm>> -> memref<1x100000xf32, #tpu.memory_space<hbm>>
    %dma_wait3A_903 = tpu.memref_squeeze %dma_wait3A_902 : memref<1x100000xf32, #tpu.memory_space<hbm>> -> memref<100000xf32, #tpu.memory_space<hbm>>
    %dma_wait3A_904 = arith.constant 0 : i32
    %dma_wait3A_905 = tpu.memref_slice %dma_wait3A_903[%dma_wait3A_904] : memref<100000xf32, #tpu.memory_space<hbm>> -> memref<100000xf32, #tpu.memory_space<hbm>>
    tpu.wait_indirect_dma semaphore(%arg16 : memref<!tpu.dma_semaphore, #tpu.memory_space<semaphore_mem>>) src(%dma_wait3A_905 : memref<100000xf32, #tpu.memory_space<hbm>>) dst(%dma_wait3A_897 : memref<512xf32, #tpu.memory_space<vmem>>)
    %scan3A_906 = arith.constant 0 : i32
    %scan3A_907 = arith.constant 0 : i32
    %scan3A_908 = arith.constant 32 : i32
    %scan3A_909 = arith.addi %scan3A_907, %scan3A_908 : i32
    %scan3A_910 = arith.constant 1 : i32
    scf.for %scan3A_912 = %scan3A_907 to %scan3A_909 step %scan3A_910  : i32 {
      %mul3A_913 = arith.constant 16 : i32
      %mul3A_914 = arith.muli %scan3A_912, %mul3A_913 : i32
      %broadcast_in_dim3A = arith.constant 0.000000e+00 : f32
      %broadcast_in_dim3A_915 = vector.broadcast %broadcast_in_dim3A : f32 to vector<16xf32>
      %get3A = arith.constant 0 : i32
      %get3A_916 = arith.index_cast %get3A : i32 to index
      %get3A_917 = arith.index_cast %mul3A_914 : i32 to index
      %get3A_918 = tpu.vector_load %arg12[%get3A_916, %get3A_917] {strides = array<i32>} : memref<16x512xf32, #tpu.memory_space<vmem>>, vector<16xf32>,
      %get3A_919 = arith.constant 0 : i32
      %get3A_920 = arith.index_cast %get3A_919 : i32 to index
      %get3A_921 = arith.index_cast %mul3A_914 : i32 to index
      %get3A_922 = tpu.vector_load %arg13[%get3A_920, %get3A_921] {strides = array<i32>} : memref<16x512xf32, #tpu.memory_space<vmem>>, vector<16xf32>,
      %mul3A_923 = arith.mulf %get3A_918, %get3A_922 : vector<16xf32>
      %add3A_924 = arith.addf %broadcast_in_dim3A_915, %mul3A_923 : vector<16xf32>
      %get3A_925 = arith.constant 1 : i32
      %get3A_926 = arith.index_cast %get3A_925 : i32 to index
      %get3A_927 = arith.index_cast %mul3A_914 : i32 to index
      %get3A_928 = tpu.vector_load %arg12[%get3A_926, %get3A_927] {strides = array<i32>} : memref<16x512xf32, #tpu.memory_space<vmem>>, vector<16xf32>,
      %get3A_929 = arith.constant 1 : i32
      %get3A_930 = arith.index_cast %get3A_929 : i32 to index
      %get3A_931 = arith.index_cast %mul3A_914 : i32 to index
      %get3A_932 = tpu.vector_load %arg13[%get3A_930, %get3A_931] {strides = array<i32>} : memref<16x512xf32, #tpu.memory_space<vmem>>, vector<16xf32>,
      %mul3A_933 = arith.mulf %get3A_928, %get3A_932 : vector<16xf32>
      %add3A_934 = arith.addf %add3A_924, %mul3A_933 : vector<16xf32>
      %get3A_935 = arith.constant 2 : i32
      %get3A_936 = arith.index_cast %get3A_935 : i32 to index
      %get3A_937 = arith.index_cast %mul3A_914 : i32 to index
      %get3A_938 = tpu.vector_load %arg12[%get3A_936, %get3A_937] {strides = array<i32>} : memref<16x512xf32, #tpu.memory_space<vmem>>, vector<16xf32>,
      %get3A_939 = arith.constant 2 : i32
      %get3A_940 = arith.index_cast %get3A_939 : i32 to index
      %get3A_941 = arith.index_cast %mul3A_914 : i32 to index
      %get3A_942 = tpu.vector_load %arg13[%get3A_940, %get3A_941] {strides = array<i32>} : memref<16x512xf32, #tpu.memory_space<vmem>>, vector<16xf32>,
      %mul3A_943 = arith.mulf %get3A_938, %get3A_942 : vector<16xf32>
      %add3A_944 = arith.addf %add3A_934, %mul3A_943 : vector<16xf32>
      %get3A_945 = arith.constant 3 : i32
      %get3A_946 = arith.index_cast %get3A_945 : i32 to index
      %get3A_947 = arith.index_cast %mul3A_914 : i32 to index
      %get3A_948 = tpu.vector_load %arg12[%get3A_946, %get3A_947] {strides = array<i32>} : memref<16x512xf32, #tpu.memory_space<vmem>>, vector<16xf32>,
      %get3A_949 = arith.constant 3 : i32
      %get3A_950 = arith.index_cast %get3A_949 : i32 to index
      %get3A_951 = arith.index_cast %mul3A_914 : i32 to index
      %get3A_952 = tpu.vector_load %arg13[%get3A_950, %get3A_951] {strides = array<i32>} : memref<16x512xf32, #tpu.memory_space<vmem>>, vector<16xf32>,
      %mul3A_953 = arith.mulf %get3A_948, %get3A_952 : vector<16xf32>
      %add3A_954 = arith.addf %add3A_944, %mul3A_953 : vector<16xf32>
      %get3A_955 = arith.constant 4 : i32
      %get3A_956 = arith.index_cast %get3A_955 : i32 to index
      %get3A_957 = arith.index_cast %mul3A_914 : i32 to index
      %get3A_958 = tpu.vector_load %arg12[%get3A_956, %get3A_957] {strides = array<i32>} : memref<16x512xf32, #tpu.memory_space<vmem>>, vector<16xf32>,
      %get3A_959 = arith.constant 4 : i32
      %get3A_960 = arith.index_cast %get3A_959 : i32 to index
      %get3A_961 = arith.index_cast %mul3A_914 : i32 to index
      %get3A_962 = tpu.vector_load %arg13[%get3A_960, %get3A_961] {strides = array<i32>} : memref<16x512xf32, #tpu.memory_space<vmem>>, vector<16xf32>,
      %mul3A_963 = arith.mulf %get3A_958, %get3A_962 : vector<16xf32>
      %add3A_964 = arith.addf %add3A_954, %mul3A_963 : vector<16xf32>
      %get3A_965 = arith.constant 5 : i32
      %get3A_966 = arith.index_cast %get3A_965 : i32 to index
      %get3A_967 = arith.index_cast %mul3A_914 : i32 to index
      %get3A_968 = tpu.vector_load %arg12[%get3A_966, %get3A_967] {strides = array<i32>} : memref<16x512xf32, #tpu.memory_space<vmem>>, vector<16xf32>,
      %get3A_969 = arith.constant 5 : i32
      %get3A_970 = arith.index_cast %get3A_969 : i32 to index
      %get3A_971 = arith.index_cast %mul3A_914 : i32 to index
      %get3A_972 = tpu.vector_load %arg13[%get3A_970, %get3A_971] {strides = array<i32>} : memref<16x512xf32, #tpu.memory_space<vmem>>, vector<16xf32>,
      %mul3A_973 = arith.mulf %get3A_968, %get3A_972 : vector<16xf32>
      %add3A_974 = arith.addf %add3A_964, %mul3A_973 : vector<16xf32>
      %get3A_975 = arith.constant 6 : i32
      %get3A_976 = arith.index_cast %get3A_975 : i32 to index
      %get3A_977 = arith.index_cast %mul3A_914 : i32 to index
      %get3A_978 = tpu.vector_load %arg12[%get3A_976, %get3A_977] {strides = array<i32>} : memref<16x512xf32, #tpu.memory_space<vmem>>, vector<16xf32>,
      %get3A_979 = arith.constant 6 : i32
      %get3A_980 = arith.index_cast %get3A_979 : i32 to index
      %get3A_981 = arith.index_cast %mul3A_914 : i32 to index
      %get3A_982 = tpu.vector_load %arg13[%get3A_980, %get3A_981] {strides = array<i32>} : memref<16x512xf32, #tpu.memory_space<vmem>>, vector<16xf32>,
      %mul3A_983 = arith.mulf %get3A_978, %get3A_982 : vector<16xf32>
      %add3A_984 = arith.addf %add3A_974, %mul3A_983 : vector<16xf32>
      %get3A_985 = arith.constant 7 : i32
      %get3A_986 = arith.index_cast %get3A_985 : i32 to index
      %get3A_987 = arith.index_cast %mul3A_914 : i32 to index
      %get3A_988 = tpu.vector_load %arg12[%get3A_986, %get3A_987] {strides = array<i32>} : memref<16x512xf32, #tpu.memory_space<vmem>>, vector<16xf32>,
      %get3A_989 = arith.constant 7 : i32
      %get3A_990 = arith.index_cast %get3A_989 : i32 to index
      %get3A_991 = arith.index_cast %mul3A_914 : i32 to index
      %get3A_992 = tpu.vector_load %arg13[%get3A_990, %get3A_991] {strides = array<i32>} : memref<16x512xf32, #tpu.memory_space<vmem>>, vector<16xf32>,
      %mul3A_993 = arith.mulf %get3A_988, %get3A_992 : vector<16xf32>
      %add3A_994 = arith.addf %add3A_984, %mul3A_993 : vector<16xf32>
      %get3A_995 = arith.constant 8 : i32
      %get3A_996 = arith.index_cast %get3A_995 : i32 to index
      %get3A_997 = arith.index_cast %mul3A_914 : i32 to index
      %get3A_998 = tpu.vector_load %arg12[%get3A_996, %get3A_997] {strides = array<i32>} : memref<16x512xf32, #tpu.memory_space<vmem>>, vector<16xf32>,
      %get3A_999 = arith.constant 8 : i32
      %get3A_1000 = arith.index_cast %get3A_999 : i32 to index
      %get3A_1001 = arith.index_cast %mul3A_914 : i32 to index
      %get3A_1002 = tpu.vector_load %arg13[%get3A_1000, %get3A_1001] {strides = array<i32>} : memref<16x512xf32, #tpu.memory_space<vmem>>, vector<16xf32>,
      %mul3A_1003 = arith.mulf %get3A_998, %get3A_1002 : vector<16xf32>
      %add3A_1004 = arith.addf %add3A_994, %mul3A_1003 : vector<16xf32>
      %get3A_1005 = arith.constant 9 : i32
      %get3A_1006 = arith.index_cast %get3A_1005 : i32 to index
      %get3A_1007 = arith.index_cast %mul3A_914 : i32 to index
      %get3A_1008 = tpu.vector_load %arg12[%get3A_1006, %get3A_1007] {strides = array<i32>} : memref<16x512xf32, #tpu.memory_space<vmem>>, vector<16xf32>,
      %get3A_1009 = arith.constant 9 : i32
      %get3A_1010 = arith.index_cast %get3A_1009 : i32 to index
      %get3A_1011 = arith.index_cast %mul3A_914 : i32 to index
      %get3A_1012 = tpu.vector_load %arg13[%get3A_1010, %get3A_1011] {strides = array<i32>} : memref<16x512xf32, #tpu.memory_space<vmem>>, vector<16xf32>,
      %mul3A_1013 = arith.mulf %get3A_1008, %get3A_1012 : vector<16xf32>
      %add3A_1014 = arith.addf %add3A_1004, %mul3A_1013 : vector<16xf32>
      %get3A_1015 = arith.constant 10 : i32
      %get3A_1016 = arith.index_cast %get3A_1015 : i32 to index
      %get3A_1017 = arith.index_cast %mul3A_914 : i32 to index
      %get3A_1018 = tpu.vector_load %arg12[%get3A_1016, %get3A_1017] {strides = array<i32>} : memref<16x512xf32, #tpu.memory_space<vmem>>, vector<16xf32>,
      %get3A_1019 = arith.constant 10 : i32
      %get3A_1020 = arith.index_cast %get3A_1019 : i32 to index
      %get3A_1021 = arith.index_cast %mul3A_914 : i32 to index
      %get3A_1022 = tpu.vector_load %arg13[%get3A_1020, %get3A_1021] {strides = array<i32>} : memref<16x512xf32, #tpu.memory_space<vmem>>, vector<16xf32>,
      %mul3A_1023 = arith.mulf %get3A_1018, %get3A_1022 : vector<16xf32>
      %add3A_1024 = arith.addf %add3A_1014, %mul3A_1023 : vector<16xf32>
      %get3A_1025 = arith.constant 11 : i32
      %get3A_1026 = arith.index_cast %get3A_1025 : i32 to index
      %get3A_1027 = arith.index_cast %mul3A_914 : i32 to index
      %get3A_1028 = tpu.vector_load %arg12[%get3A_1026, %get3A_1027] {strides = array<i32>} : memref<16x512xf32, #tpu.memory_space<vmem>>, vector<16xf32>,
      %get3A_1029 = arith.constant 11 : i32
      %get3A_1030 = arith.index_cast %get3A_1029 : i32 to index
      %get3A_1031 = arith.index_cast %mul3A_914 : i32 to index
      %get3A_1032 = tpu.vector_load %arg13[%get3A_1030, %get3A_1031] {strides = array<i32>} : memref<16x512xf32, #tpu.memory_space<vmem>>, vector<16xf32>,
      %mul3A_1033 = arith.mulf %get3A_1028, %get3A_1032 : vector<16xf32>
      %add3A_1034 = arith.addf %add3A_1024, %mul3A_1033 : vector<16xf32>
      %get3A_1035 = arith.constant 12 : i32
      %get3A_1036 = arith.index_cast %get3A_1035 : i32 to index
      %get3A_1037 = arith.index_cast %mul3A_914 : i32 to index
      %get3A_1038 = tpu.vector_load %arg12[%get3A_1036, %get3A_1037] {strides = array<i32>} : memref<16x512xf32, #tpu.memory_space<vmem>>, vector<16xf32>,
      %get3A_1039 = arith.constant 12 : i32
      %get3A_1040 = arith.index_cast %get3A_1039 : i32 to index
      %get3A_1041 = arith.index_cast %mul3A_914 : i32 to index
      %get3A_1042 = tpu.vector_load %arg13[%get3A_1040, %get3A_1041] {strides = array<i32>} : memref<16x512xf32, #tpu.memory_space<vmem>>, vector<16xf32>,
      %mul3A_1043 = arith.mulf %get3A_1038, %get3A_1042 : vector<16xf32>
      %add3A_1044 = arith.addf %add3A_1034, %mul3A_1043 : vector<16xf32>
      %get3A_1045 = arith.constant 13 : i32
      %get3A_1046 = arith.index_cast %get3A_1045 : i32 to index
      %get3A_1047 = arith.index_cast %mul3A_914 : i32 to index
      %get3A_1048 = tpu.vector_load %arg12[%get3A_1046, %get3A_1047] {strides = array<i32>} : memref<16x512xf32, #tpu.memory_space<vmem>>, vector<16xf32>,
      %get3A_1049 = arith.constant 13 : i32
      %get3A_1050 = arith.index_cast %get3A_1049 : i32 to index
      %get3A_1051 = arith.index_cast %mul3A_914 : i32 to index
      %get3A_1052 = tpu.vector_load %arg13[%get3A_1050, %get3A_1051] {strides = array<i32>} : memref<16x512xf32, #tpu.memory_space<vmem>>, vector<16xf32>,
      %mul3A_1053 = arith.mulf %get3A_1048, %get3A_1052 : vector<16xf32>
      %add3A_1054 = arith.addf %add3A_1044, %mul3A_1053 : vector<16xf32>
      %get3A_1055 = arith.constant 14 : i32
      %get3A_1056 = arith.index_cast %get3A_1055 : i32 to index
      %get3A_1057 = arith.index_cast %mul3A_914 : i32 to index
      %get3A_1058 = tpu.vector_load %arg12[%get3A_1056, %get3A_1057] {strides = array<i32>} : memref<16x512xf32, #tpu.memory_space<vmem>>, vector<16xf32>,
      %get3A_1059 = arith.constant 14 : i32
      %get3A_1060 = arith.index_cast %get3A_1059 : i32 to index
      %get3A_1061 = arith.index_cast %mul3A_914 : i32 to index
      %get3A_1062 = tpu.vector_load %arg13[%get3A_1060, %get3A_1061] {strides = array<i32>} : memref<16x512xf32, #tpu.memory_space<vmem>>, vector<16xf32>,
      %mul3A_1063 = arith.mulf %get3A_1058, %get3A_1062 : vector<16xf32>
      %add3A_1064 = arith.addf %add3A_1054, %mul3A_1063 : vector<16xf32>
      %get3A_1065 = arith.constant 15 : i32
      %get3A_1066 = arith.index_cast %get3A_1065 : i32 to index
      %get3A_1067 = arith.index_cast %mul3A_914 : i32 to index
      %get3A_1068 = tpu.vector_load %arg12[%get3A_1066, %get3A_1067] {strides = array<i32>} : memref<16x512xf32, #tpu.memory_space<vmem>>, vector<16xf32>,
      %get3A_1069 = arith.constant 15 : i32
      %get3A_1070 = arith.index_cast %get3A_1069 : i32 to index
      %get3A_1071 = arith.index_cast %mul3A_914 : i32 to index
      %get3A_1072 = tpu.vector_load %arg13[%get3A_1070, %get3A_1071] {strides = array<i32>} : memref<16x512xf32, #tpu.memory_space<vmem>>, vector<16xf32>,
      %mul3A_1073 = arith.mulf %get3A_1068, %get3A_1072 : vector<16xf32>
      %add3A_1074 = arith.addf %add3A_1064, %mul3A_1073 : vector<16xf32>
      %get3A_1075 = arith.index_cast %mul3A_914 : i32 to index
      %get3A_1076 = tpu.vector_load %arg14[%get3A_1075] {strides = array<i32>} : memref<512xf32, #tpu.memory_space<vmem>>, vector<16xf32>,
      %sub3A = arith.subf %get3A_1076, %add3A_1074 : vector<16xf32>
      %exp3A = math.exp %sub3A : vector<16xf32>
      %add3A_1077 = arith.constant 1.000000e+00 : f32
      %add3A_1078 = vector.broadcast %add3A_1077 : f32 to vector<16xf32>
      %add3A_1079 = arith.addf %add3A_1078, %exp3A : vector<16xf32>
      %div3A = arith.constant 1.000000e+00 : f32
      %div3A_1080 = vector.broadcast %div3A : f32 to vector<16xf32>
      %div3A_1081 = arith.divf %div3A_1080, %add3A_1079 : vector<16xf32>
      %swap3A = arith.index_cast %mul3A_914 : i32 to index
      %swap3A_1082 = tpu.vector_load %arg15[%swap3A] {strides = array<i32>} : memref<512xf32, #tpu.memory_space<vmem>>, vector<16xf32>,
      tpu.vector_store %arg15[%swap3A], %div3A_1081 {strides = array<i32>} : memref<512xf32, #tpu.memory_space<vmem>>, vector<16xf32>,
    }
    %scan3A_911 = arith.constant 32 : i32
    "tpu.region"() ({
      %run_scoped3A = tpu.sem_alloc : memref<!tpu.dma_semaphore, #tpu.memory_space<semaphore_mem>>
      %dma_start3A_912 = tpu.memref_slice %arg7[%mul3A_2] : memref<16384xf32, #tpu.memory_space<hbm>> -> memref<512xf32, #tpu.memory_space<hbm>>
      %dma_start3A_913 = tpu.memref_slice %arg7[%mul3A_2] : memref<16384xf32, #tpu.memory_space<hbm>> -> memref<512xf32, #tpu.memory_space<hbm>>
      tpu.enqueue_dma source(%arg15 : memref<512xf32, #tpu.memory_space<vmem>>) target(%dma_start3A_913 : memref<512xf32, #tpu.memory_space<hbm>>) target_semaphore(%run_scoped3A : memref<!tpu.dma_semaphore, #tpu.memory_space<semaphore_mem>>)
      %dma_wait3A_914 = tpu.memref_slice %arg7[%mul3A_2] : memref<16384xf32, #tpu.memory_space<hbm>> -> memref<512xf32, #tpu.memory_space<hbm>>
      %dma_wait3A_915 = tpu.memref_slice %arg7[%mul3A_2] : memref<16384xf32, #tpu.memory_space<hbm>> -> memref<512xf32, #tpu.memory_space<hbm>>
      tpu.wait_dma2 semaphore(%run_scoped3A : memref<!tpu.dma_semaphore, #tpu.memory_space<semaphore_mem>>) src(%arg15 : memref<512xf32, #tpu.memory_space<vmem>>) dst(%dma_wait3A_915 : memref<512xf32, #tpu.memory_space<hbm>>)
      tpu.yield
    }) : () -> ()
    return
  }
}

</mosaic_0001>

<sc_bundles>
// kernel: kernel.3.cloned.1.call-start
scs
__scs_entry_jumppad:
0x0: {  	(pc) =	sbr.rel $0x88, $3  }
0x1: {  	(tag) =	ssettag $0x0;
	lr =	simm.s32 $0x1  }
0x2: {  	[smem:$0x3F9C] =	sst lr;
	_ =	strace $0xD0000000  }
0x3: {  	_ = 	snop  }
0x4: {  	_ = 	snop  }
0x5: {  	_ = 	snop  }
0x6: {  	_ = 	snop  }
0x7: {  	_ = 	snop  }
__scs_overlays_trampoline_lowered:
0x8: {  	[smem:$0x3FAB] =	sst s0  }
0x9: {  	[smem:$0x3FAC] =	sst s1  }
0xa: {  	[smem:$0x3FAD] =	sst s2  }
0xb: {  	[smem:$0x3FAE] =	sst s3  }
0xc: {  	[smem:$0x3FAF] =	sst s4  }
0xd: {  	[smem:$0x3FB0] =	sst s5  }
0xe: {  	[smem:$0x3FB1] =	sst s6  }
0xf: {  	[smem:$0x3FB2] =	sst s7  }
0x10: {  	[smem:$0x3FB3] =	sst s8  }
0x11: {  	[smem:$0x3FB4] =	sst s9;
	s0 =	simm.s32 @!p0 $0x0  }
0x12: {  	s1 =	sld [smem:$0x3F9A];
	s0 =	simm.s32 @p0 $0x1  }
0x13: {  	[smem:$0x3FB5] =	sst s0;
	s0 =	simm.s32 @!p1 $0x0  }
0x14: {  	s2 =	sld [smem:$0x3F99];
	s0 =	simm.s32 @p1 $0x1  }
0x15: {  	[smem:$0x3FB6] =	sst s0;
	s0 =	simm.s32 @!p2 $0x0  }
0x16: {  	s3 =	sld [smem:$0x3FDB];
	s0 =	simm.s32 @p2 $0x1  }
0x17: {  	s4 =	simm.s32 $0x1BF5;
	[smem:$0x3FB8] =	sst s0  }
0x18: {  	s0 =	sld [smem:$0x3F9B];
	_ =	swait.ge [sflag:s4], $0x0  }
0x19: {  	s7 =	sld [smem:$0x3F9C]  }
0x1a: {  	s8 =	sadd.s32 $0xFFFFE003, lr  }
0x1b: {  	s9 =	sadd.s32 $0xFFFFFEF7, lr;
	s5 =	simm.s32 $0xFFFFFFFF;
	p2 =	slt.u32 s8, $0xFFFFF086  }
0x1c: {  	p1 =	slt.u32 s9, $0xF7A;
	s5 =	simm.s32 @!p2 $0x0  }
0x1d: {  	s5 =	simm.s32 @p1 $0x1;
	p0 =	seq.s32 s7, s2  }
0x1e: {  	s7 =	smul.u32 @!p0 $0xF7A, s2;
	p2 =	seq.s32 @!p0 s5, $0x0  }
0x1f: {  	s9 =	smul.u32 $0xF7A, s1;
	s8 =	simm.s32 @!p0 $0x1BF5;
	p2 =	por !p2, p0  }
0x20: {  	[sflag:s8] =	ssyncset.s32 @!p0 $0xFFFFF086;
	s6 =	sadd.s32 @!p0 s3, s7;
	s7 =	simm.s32 @!p0 $0x108  }
0x21: {  	s3 =	sadd.s32 s3, s9;
	s6 =	sadd.s32 @!p0 $0x88, s6;
	s7 =	simm.s32 @p2 $0x1082  }
0x22: {  	[simem:s7], [sflag:s8] =	dma.local @!p0 [hbm:s6], $0xF7A  }
0x23: {  	s9 =	sor.u32 $0xD0000000, s2;
	s6 =	simm.s32 $0x108;
	_ =	swait.ge @!p0 [sflag:s8], $0x0  }
0x24: {  	s3 =	sadd.s32 $0x88, s3;
	s6 =	simm.s32 @!p1 $0x1082;
	[sflag:s4] =	ssyncset.s32 $0xFFFFF086  }
0x25: {  	[simem:s6], [sflag:s4] =	dma.local [hbm:s3], $0xF7A  }
0x26: {  	[smem:$0x3F9C] =	sst s1;
	(tag) =	ssettag s2;
	_ =	strace s9  }
0x27: {  	s1 =	sld [smem:$0x3FAC]  }
0x28: {  	s2 =	sld [smem:$0x3FAD]  }
0x29: {  	s4 =	sld [smem:$0x3FAF]  }
0x2a: {  	p0 =	seq.s32 s5, $0x0;
	s5 =	sld [smem:$0x3FB0]  }
0x2b: {  	s6 =	sld [smem:$0x3FB1]  }
0x2c: {  	s7 =	sld [smem:$0x3FB2]  }
0x2d: {  	s3 =	simm.s32 $0x108;
	s8 =	sld [smem:$0x3FB3]  }
0x2e: {  	s3 =	simm.s32 @!p0 $0x1082;
	s9 =	sld [smem:$0x3FB4]  }
0x2f: {  	lr =	sadd.s32 s0, s3;
	s0 =	sld [smem:$0x3FAB]  }
0x30: {  	s3 =	sld [smem:$0x3FAE]  }
0x31: {  	[smem:$0x3FB7] =	sst s10  }
0x32: {  	s10 =	sld [smem:$0x3FB5];
	_ =	sdelay $0x3  }
0x33: {  	p0 =	seq.s32 s10, $0x1;
	s10 =	sld [smem:$0x3FB7];
	_ =	sdelay $0x3  }
0x34: {  	[smem:$0x3FB7] =	sst s10  }
0x35: {  	s10 =	sld [smem:$0x3FB6];
	_ =	sdelay $0x3  }
0x36: {  	p1 =	seq.s32 s10, $0x1;
	s10 =	sld [smem:$0x3FB7];
	_ =	sdelay $0x3  }
0x37: {  	[smem:$0x3FB7] =	sst s10  }
0x38: {  	s10 =	sld [smem:$0x3FB8]  }
0x39: {  	_ = 	snop;
	(pc) =	sbr.ind lr, $3  }
0x3a: {  	_ = 	snop  }
0x3b: {  	_ = 	snop  }
0x3c: {  	p2 =	seq.s32 s10, $0x1;
	s10 =	sld [smem:$0x3FB7]  }
0x3d: {  	_ =	shalt  }
0x3e: {  	_ =	shalt  }
0x3f: {  	_ =	shalt  }
0x40: {  	_ =	shalt  }
0x41: {  	_ =	shalt  }
0x42: {  	_ =	shalt  }
0x43: {  	_ =	shalt  }
0x44: {  	_ =	shalt  }
0x45: {  	_ =	shalt  }
0x46: {  	_ =	shalt  }
0x47: {  	_ =	shalt  }
0x48: {  	_ =	shalt  }
0x49: {  	_ =	shalt  }
0x4a: {  	_ =	shalt  }
0x4b: {  	_ =	shalt  }
0x4c: {  	_ =	shalt  }
0x4d: {  	_ =	shalt  }
0x4e: {  	_ =	shalt  }
0x4f: {  	_ =	shalt  }
0x50: {  	_ =	shalt  }
0x51: {  	_ =	shalt  }
0x52: {  	_ =	shalt  }
0x53: {  	_ =	shalt  }
0x54: {  	_ =	shalt  }
0x55: {  	_ =	shalt  }
0x56: {  	_ =	shalt  }
0x57: {  	_ =	shalt  }
0x58: {  	_ =	shalt  }
0x59: {  	_ =	shalt  }
0x5a: {  	_ =	shalt  }
0x5b: {  	_ =	shalt  }
0x5c: {  	_ =	shalt  }
0x5d: {  	_ =	shalt  }
0x5e: {  	_ =	shalt  }
0x5f: {  	_ =	shalt  }
0x60: {  	_ =	shalt  }
0x61: {  	_ =	shalt  }
0x62: {  	_ =	shalt  }
0x63: {  	_ =	shalt  }
0x64: {  	_ =	shalt  }
0x65: {  	_ =	shalt  }
0x66: {  	_ =	shalt  }
0x67: {  	_ =	shalt  }
0x68: {  	_ =	shalt  }
0x69: {  	_ =	shalt  }
0x6a: {  	_ =	shalt  }
0x6b: {  	_ =	shalt  }
0x6c: {  	_ =	shalt  }
0x6d: {  	_ =	shalt  }
0x6e: {  	_ =	shalt  }
0x6f: {  	_ =	shalt  }
0x70: {  	_ =	shalt  }
0x71: {  	_ =	shalt  }
0x72: {  	_ =	shalt  }
0x73: {  	_ =	shalt  }
0x74: {  	_ =	shalt  }
0x75: {  	_ =	shalt  }
0x76: {  	_ =	shalt  }
0x77: {  	_ =	shalt  }
0x78: {  	_ =	shalt  }
0x79: {  	_ =	shalt  }
0x7a: {  	_ =	shalt  }
0x7b: {  	_ =	shalt  }
0x7c: {  	_ =	shalt  }
0x7d: {  	_ =	shalt  }
0x7e: {  	_ =	shalt  }
0x7f: {  	_ =	shalt  }
0x80: {  	_ =	shalt  }
0x81: {  	_ =	shalt  }
0x82: {  	_ =	shalt  }
0x83: {  	_ =	shalt  }
0x84: {  	_ =	shalt  }
0x85: {  	_ =	shalt  }
0x86: {  	_ =	shalt  }
0x87: {  	_ =	shalt  }
.Lfunc_end0:
.L_simem_size_0:
called_computation_lowered:
.L_overlay_start_0:
0x88: {  	s2 =	sld [smem:$0x3FD9]  }
0x89: {  	s3 =	sld [smem:$0x3FFE];
	_ =	sdelay $0x1  }
0x8a: {  	s1 =	srdreg.scid  }
0x8b: {  	s0 =	sand.u32 $0x1, s1  }
0x8c: {  	s17 =	sshll.u32 s0, $0xA;
	s2 =	sadd.s32 s3, s2  }
0x8d: {  	s2 =	sadd.s32 s2, s17  }
0x8e: {  	[smem:$0x3FC3] =	sst s2  }
0x8f: {  	_ = 	snop  }
0x90: {  	s2 =	sld [smem:$0x3FC9]  }
0x91: {  	s18 =	sld [smem:$0x3FC8]  }
0x92: {  	s4 =	sld [smem:$0x3FD0];
	(tm) =	ssettm $0x1  }
0x93: {  	s5 =	sld [smem:$0x3FFB];
	_ =	sdelay $0x3  }
0x94: {  	_ =	strace s5  }
0x95: {  	s5 =	sld [smem:$0x3FFC];
	_ =	sdelay $0x3  }
0x96: {  	_ =	strace s5  }
0x97: {  	s5 =	sld [smem:$0x3FFD];
	_ =	sdelay $0x3  }
0x98: {  	_ =	strace s5  }
0x99: {  	_ =	strace $0x8FFFFFFF  }
0x9a: {  	s19 =	sld [smem:$0x3FDB];
	_ =	sdelay $0x1  }
0x9b: {  	s6 =	simm.s32 $_scs_section_size  }
0x9c: {  	s7 =	simm.s32 $_size__tile_overlayer_lowered;
	s8 =	simm.s32 $_tile_overlayer_lowered  }
0x9d: {  	s22 =	simm.s32 $0x1BFF;
	s21 =	sshll.u32 s8, $0x1;
	s5 =	sadd.s32 s6, s19  }
0x9e: {  	s9 =	simm.s32 $0x0;
	s20 =	sshll.u32 s7, $0x1;
	s7 =	sadd.s32 s21, s5  }
0x9f: {  	[timem:s9], [sflag:s22] =	dma.local [hbm:s7], s20  }
0xa0: {  	_ =	swait.ge [sflag:s22], s20  }
0xa1: {  	s6 =	ssub.s32 $0x0, s20;
	[sflag:s22] =	ssyncset.done $0x0  }
0xa2: {  	[sflag:s22] =	ssyncadd.s32 s6;
	_ =	sdelay $0x1  }
0xa3: {  	s23 =	simm.s32 $0x1B8B  }
0xa4: {  	_ =	swait.ge [sflag:s23], $0x1  }
0xa5: {  	[sflag:s23] =	ssyncset.done $0x0  }
0xa6: {  	s25 =	simm.s32 $0x1B8E;
	s24 =	sld [smem:$0x3FFE];
	[sflag:s23] =	ssyncadd.s32 $0xFFFFFFFF  }
0xa7: {  	s26 =	simm.s32 $execute0_lowered;
	[smem:$0x3FD2] =	sst s25  }
0xa8: {  	s7 =	sshll.u32 s26, $0x1;
	_ =	strace $0x80000046;
	[dreg:$0x1] =	wrdreg $0xFFFFFFFF  }
0xa9: {  	s28 =	simm.s32 $_size_execute0_lowered;
	s5 =	sadd.s32 s5, s7;
	[dreg:$0x0] =	wrdreg $0x0  }
0xaa: {  	s7 =	sshll.u32 s28, $0x1;
	[dreg:$0x2] =	wrdreg s5  }
0xab: {  	[dreg:$0x3] =	wrdreg s7  }
0xac: {  	[dreg:$0x4] =	wrdreg $0xC0  }
0xad: {  	_ =	task [dreg:s9], $0x5FFFF  }
0xae: {  	[dreg:$0x1] =	wrdreg $0xFFFFFFFF  }
0xaf: {  	[dreg:$0x0] =	wrdreg $0x60  }
0xb0: {  	[dreg:$0x2] =	wrdreg s2  }
0xb1: {  	[dreg:$0x3] =	wrdreg s18  }
0xb2: {  	[dreg:$0x4] =	wrdreg s24  }
0xb3: {  	[dreg:$0x5] =	wrdreg s4  }
0xb4: {  	[dreg:$0x6] =	wrdreg $0x9  }
0xb5: {  	_ =	task.clear_ibuf [dreg:s9], $0x7FFFF;
	_ =	strace $0x90000046  }
0xb6: {  	s29 =	simm.s32 $0x9;
	_ =	strace $0x80000048  }
0xb7: {  	_ =	swait.ge [sflag:s29], $0x1  }
0xb8: {  	[sflag:s29] =	ssyncadd.s32 $0xFFFFFFFF  }
0xb9: {  	_ =	strace $0x90000048  }
0xba: {  	_ =	sfence  }
0xbb: {  	s30 =	sld [smem:$0x0];
	_ =	sdelay $0x2  }
0xbc: {  	s31 =	sshll.u32 s1, $0xD;
	s1 =	sshrl.u32 s1, $0x2  }
0xbd: {  	s3 =	sand.u32 $0x4000, s31;
	s1 =	sadd.s32 s1, s30  }
0xbe: {  	s0 =	sor.u32 s3, s0;
	s1 =	sshll.u32 s1, $0x11  }
0xbf: {  	s0 =	sor.u32 s1, s0  }
0xc0: {  	s0 =	sadd.s32 $0x8F2B, s0  }
0xc1: {  	[sflag:s0] =	ssyncadd.remote.s32 $0x1  }
0xc2: {  	_ =	sfence.sel $0xFFFF  }
0xc3: {  	[dreg:$0x0] =	wrdreg $0xFFFFFFFF;
	(pc) =	sbr.abs _section_cstart, $3  }
0xc4: {  	[dreg:$0x1] =	wrdreg $0xFFFFFFFF  }
0xc5: {  	_ =	task.clear_ibuf [dreg:s9], $0x2FFFF;
	_ =	strace $0x9FFFFFFF  }
0xc6: {  	(tm) =	ssettm $0x7FFFFFFF  }
0xc7: {  	_ =	shalt  }
tec
execute0_lowered:
.L_overlay_start_1:
0x0: {  	(tag) =	ssettag $0x1  }
0x1: {  	s0 =	rddreg [dreg:$0x0]  }
0x2: {  	s2 =	rddreg [dreg:$0x1]  }
0x3: {  	s5 =	rddreg [dreg:$0x2]  }
0x4: {  	s8 =	rddreg [dreg:$0x3];
	s1 =	simm.s32 $0x0;
	s6 =	srdreg.scid  }
0x5: {  	s9 =	stileid.u32;
	s11 =	simm.s32 $0x200;
	s21 =	simm.s32 $0x3C00  }
0x6: {  	s22 =	simm.s32 $0x7C00;
	s23 =	simm.s32 $0x1E00;
	s24 =	simm.s32 $0x5E00  }
0x7: {  	s25 =	simm.s32 $0x3E00;
	s26 =	simm.s32 $0x7E00;
	s28 =	simm.s32 $0x2000  }
0x8: {  	s29 =	simm.s32 $0x6000;
	s30 =	simm.s32 $0x4000;
	s31 =	simm.s32 $0x8000  }
0x9: {  	s12 =	simm.s32 $0x4200;
	s13 =	simm.s32 $0x8200;
	s14 =	simm.s32 $0x1  }
0xa: {  	s15 =	simm.s32 $0x8600;
	s16 =	simm.s32 $0x0;
	[smem:$0x7FF] =	sst s1  }
0xb: {  	s3 =	sadd.s32 $0x31000, s5;
	s4 =	sadd.s32 $0x200, s5;
	s6 =	sand.u32 $0x1, s6  }
0xc: {  	s9 =	sshll.u32 s9, $0x7;
	s7 =	ssub.s32 $0x2, s6;
	s6 =	sshll.u32 s6, $0x6  }
0xd: {  	s5 =	sadd.s32 $0x219600, s5;
	s10 =	sshrl.u32 s7, $0x1;
	s9 =	sor.u32 s6, s9  }
0xe: {  	_ =	strace $0x80000047;
	s10 =	ssub.s32 s7, s10;
	s6 =	sadd.s32 s0, s9  }
0xf: {  	s7 =	sadd.s32 s2, s9;
	s8 =	sadd.s32 s8, s9;
	s0 =	simm.s32 $0x2200  }
0x10: {  	s2 =	simm.s32 $0x6200;
	s9 =	smax.u32 s10, $0x1;
	s10 =	simm.s32 $0x2  }
.LBB2_1:
0x11: {  	[tilespmem:s1], [sflag:$0x2] =	stream.linear.gather [hbm4b:s6+s1], $0x200, $0x38;
	[tilespmem:$0x8800] =	vst v63  }
0x12: {  	_ =	swait.ge [sflag:s10], $0x200  }
0x13: {  	[sflag:s10] =	ssyncset.done $0x0  }
0x14: {  	[sflag:s10] =	ssyncadd.s32 $0xFFFFFE00  }
0x15: {  	[tilespmem:s11], [sflag:$0x2] =	stream.linear.gather [hbm4b:s7+s1], $0x200, $0x38;
	[tilespmem:$0x8800] =	vst v63  }
0x16: {  	_ =	swait.ge [sflag:s10], $0x200  }
0x17: {  	[sflag:s10] =	ssyncset.done $0x0  }
0x18: {  	s17 =	simm.s32 $0x0;
	[sflag:s10] =	ssyncadd.s32 $0xFFFFFE00  }
0x19: {  	v0 =	vld [tilespmem:s17+$0x200]  }
0x1a: {  	v1 =	vld [tilespmem:s17+$0x0];
	_ =	sdelay $0x3  }
0x1b: {  	v2 =	vshll.u32 v0, $0x3  }
0x1c: {  	v3 =	vshll.u32 v1, $0x3;
	v0 =	vand.u32 $0x7F, v0;
	v2 =	vand.u32 $0xFFFFFC00, v2  }
0x1d: {  	v1 =	vand.u32 $0x7F, v1;
	v3 =	vand.u32 $0xFFFFFC00, v3;
	v2 =	vor.u32 v0, v2  }
0x1e: {  	v0 =	vor.u32 v1, v3;
	[tilespmem:s17+$0x2400] =	vst v2;
	v1 =	vadd.s32 $0xC3B80, v2  }
0x1f: {  	v3 =	vor.u32 $0x80, v0;
	[tilespmem:s17+$0x4200] =	vst v1  }
0x20: {  	v6 =	vadd.s32 $0x7A1580, v0;
	[tilespmem:s17+$0x600] =	vst v3  }
0x21: {  	v8 =	vadd.s32 $0xC3980, v2;
	[tilespmem:s17+$0x1A00] =	vst v6  }
0x22: {  	v1 =	vor.u32 $0x80, v2;
	[tilespmem:s17+$0x3A00] =	vst v8  }
0x23: {  	v3 =	vor.u32 $0x100, v0;
	[tilespmem:s17+$0x2600] =	vst v1  }
0x24: {  	v1 =	vor.u32 $0x100, v2;
	[tilespmem:s17+$0x800] =	vst v3  }
0x25: {  	v3 =	vor.u32 $0x180, v0;
	[tilespmem:s17+$0x2800] =	vst v1  }
0x26: {  	v1 =	vor.u32 $0x180, v2;
	[tilespmem:s17+$0xA00] =	vst v3  }
0x27: {  	v3 =	vor.u32 $0x200, v0;
	[tilespmem:s17+$0x2A00] =	vst v1  }
0x28: {  	v1 =	vor.u32 $0x200, v2;
	[tilespmem:s17+$0xC00] =	vst v3  }
0x29: {  	v3 =	vor.u32 $0x280, v0;
	[tilespmem:s17+$0x2C00] =	vst v1  }
0x2a: {  	v1 =	vor.u32 $0x280, v2;
	[tilespmem:s17+$0xE00] =	vst v3  }
0x2b: {  	v3 =	vor.u32 $0x300, v0;
	[tilespmem:s17+$0x2E00] =	vst v1  }
0x2c: {  	v1 =	vor.u32 $0x300, v2;
	[tilespmem:s17+$0x1000] =	vst v3  }
0x2d: {  	v3 =	vor.u32 $0x380, v0;
	[tilespmem:s17+$0x3000] =	vst v1  }
0x2e: {  	v1 =	vor.u32 $0x380, v2;
	[tilespmem:s17+$0x1200] =	vst v3  }
0x2f: {  	v3 =	vadd.s32 $0x7A1400, v0;
	[tilespmem:s17+$0x3200] =	vst v1  }
0x30: {  	v1 =	vadd.s32 $0xC3800, v2;
	[tilespmem:s17+$0x1400] =	vst v3  }
0x31: {  	v3 =	vadd.s32 $0x7A1480, v0;
	[tilespmem:s17+$0x3400] =	vst v1  }
0x32: {  	v1 =	vadd.s32 $0xC3880, v2;
	[tilespmem:s17+$0x1600] =	vst v3  }
0x33: {  	v7 =	vadd.s32 $0x7A1600, v0;
	v4 =	vadd.s32 $0xC3A00, v2;
	v3 =	vadd.s32 $0x7A1500, v0;
	[tilespmem:s17+$0x3600] =	vst v1  }
0x34: {  	v5 =	vadd.s32 $0xC3A80, v2;
	v6 =	vadd.s32 $0x7A1700, v0;
	v1 =	vadd.s32 $0xC3900, v2;
	[tilespmem:s17+$0x1800] =	vst v3  }
0x35: {  	s18 =	simm.s32 $0x10;
	s19 =	simm.s32 $0x80;
	v3 =	vadd.s32 $0x7A1680, v0;
	v2 =	vadd.s32 $0xC3B00, v2;
	[tilespmem:s17+$0x3800] =	vst v1;
	v1 =	vadd.s32 $0x7A1780, v0  }
.LBB2_2:
0x36: {  	p0 =	sne.s32 s19, $0x7C0;
	v8 =	vld [tilespmem:s18+$0x200];
	[tilespmem:s17+$0x1C00] =	vst v7  }
0x37: {  	v7 =	vld [tilespmem:s18+$0x0];
	[tilespmem:s17+$0x3C00] =	vst v4  }
0x38: {  	[tilespmem:s17+$0x1E00] =	vst v3  }
0x39: {  	[tilespmem:s17+$0x3E00] =	vst v5  }
0x3a: {  	[tilespmem:s17+$0x2000] =	vst v6  }
0x3b: {  	v3 =	vshll.u32 v8, $0x3;
	[tilespmem:s17+$0x4000] =	vst v2  }
0x3c: {  	v4 =	vand.u32 $0x7F, v8;
	v2 =	vshll.u32 v7, $0x3;
	v3 =	vand.u32 $0xFFFFFC00, v3;
	[tilespmem:s17+$0x2200] =	vst v1  }
0x3d: {  	v1 =	vand.u32 $0xFFFFFC00, v2;
	v2 =	vand.u32 $0x7F, v7;
	v8 =	vor.u32 v4, v3;
	[tilespmem:s17+$0x400] =	vst v0;
	s17 =	smov.u32 s18  }
0x3e: {  	v0 =	vor.u32 v2, v1;
	[tilespmem:s17+$0x2400] =	vst v8;
	v1 =	vor.u32 $0x80, v8;
	v2 =	vadd.s32 $0xC3B80, v8  }
0x3f: {  	v5 =	vor.u32 $0x100, v8;
	v3 =	vor.u32 $0x80, v0;
	v4 =	vor.u32 $0x100, v0;
	[tilespmem:s17+$0x4200] =	vst v2  }
0x40: {  	v2 =	vor.u32 $0x180, v0;
	v6 =	vor.u32 $0x200, v0;
	[tilespmem:s17+$0x600] =	vst v3;
	v3 =	vor.u32 $0x180, v8  }
0x41: {  	v10 =	vor.u32 $0x280, v8;
	v9 =	vor.u32 $0x280, v0;
	[tilespmem:s17+$0x2600] =	vst v1;
	v1 =	vor.u32 $0x200, v8  }
0x42: {  	v12 =	vor.u32 $0x300, v8;
	v11 =	vor.u32 $0x300, v0;
	v13 =	vor.u32 $0x380, v0;
	[tilespmem:s17+$0x800] =	vst v4  }
0x43: {  	v14 =	vor.u32 $0x380, v8;
	v16 =	vadd.s32 $0xC3800, v8;
	v15 =	vadd.s32 $0x7A1400, v0;
	[tilespmem:s17+$0x2800] =	vst v5  }
0x44: {  	v18 =	vadd.s32 $0xC3880, v8;
	v17 =	vadd.s32 $0x7A1480, v0;
	v19 =	vadd.s32 $0x7A1500, v0;
	[tilespmem:s17+$0xA00] =	vst v2  }
0x45: {  	v20 =	vadd.s32 $0xC3900, v8;
	v22 =	vadd.s32 $0xC3980, v8;
	v21 =	vadd.s32 $0x7A1580, v0;
	[tilespmem:s17+$0x2A00] =	vst v3  }
0x46: {  	v7 =	vadd.s32 $0x7A1600, v0;
	v4 =	vadd.s32 $0xC3A00, v8;
	v3 =	vadd.s32 $0x7A1680, v0;
	[tilespmem:s17+$0xC00] =	vst v6  }
0x47: {  	v5 =	vadd.s32 $0xC3A80, v8;
	v2 =	vadd.s32 $0xC3B00, v8;
	v6 =	vadd.s32 $0x7A1700, v0;
	[tilespmem:s17+$0x2C00] =	vst v1  }
0x48: {  	v1 =	vadd.s32 $0x7A1780, v0;
	[tilespmem:s17+$0xE00] =	vst v9  }
0x49: {  	[tilespmem:s17+$0x2E00] =	vst v10  }
0x4a: {  	[tilespmem:s17+$0x1000] =	vst v11  }
0x4b: {  	[tilespmem:s17+$0x3000] =	vst v12  }
0x4c: {  	[tilespmem:s17+$0x1200] =	vst v13  }
0x4d: {  	[tilespmem:s17+$0x3200] =	vst v14  }
0x4e: {  	[tilespmem:s17+$0x1400] =	vst v15  }
0x4f: {  	[tilespmem:s17+$0x3400] =	vst v16  }
0x50: {  	[tilespmem:s17+$0x1600] =	vst v17  }
.Ltmp0:
0x51: {  	[tilespmem:s17+$0x3600] =	vst v18;
	(pc) =	sbr.rel @p0 .LBB2_2-.Ltmp0, $4  }
0x52: {  	[tilespmem:s17+$0x1800] =	vst v19  }
0x53: {  	[tilespmem:s17+$0x3800] =	vst v20  }
0x54: {  	[tilespmem:s17+$0x1A00] =	vst v21  }
0x55: {  	s18 =	sshra.s32 s19, $0x2;
	s19 =	sadd.s32 $0x40, s19;
	[tilespmem:s17+$0x3A00] =	vst v22  }
0x56: {  	v8 =	vld [tilespmem:s18+$0x200];
	[tilespmem:s17+$0x1C00] =	vst v7  }
0x57: {  	v7 =	vld [tilespmem:s18+$0x0];
	[tilespmem:s17+$0x3C00] =	vst v4  }
0x58: {  	[tilespmem:s17+$0x1E00] =	vst v3  }
0x59: {  	[tilespmem:s17+$0x3E00] =	vst v5  }
0x5a: {  	[tilespmem:s17+$0x2000] =	vst v6  }
0x5b: {  	[tilespmem:s17+$0x4000] =	vst v2;
	v3 =	vshll.u32 v8, $0x3  }
0x5c: {  	[tilespmem:s17+$0x2200] =	vst v1;
	v4 =	vand.u32 $0x7F, v8;
	v2 =	vshll.u32 v7, $0x3;
	v3 =	vand.u32 $0xFFFFFC00, v3  }
0x5d: {  	[tilespmem:s17+$0x400] =	vst v0;
	v1 =	vand.u32 $0xFFFFFC00, v2;
	v2 =	vand.u32 $0x7F, v7;
	v3 =	vor.u32 v4, v3  }
0x5e: {  	v0 =	vor.u32 v2, v1;
	[tilespmem:s18+$0x2400] =	vst v3;
	v1 =	vadd.s32 $0xC3B80, v3  }
0x5f: {  	[tilespmem:s18+$0x4200] =	vst v1  }
0x60: {  	v2 =	vor.u32 $0x80, v0;
	[tilespmem:s18+$0x400] =	vst v0  }
0x61: {  	v1 =	vor.u32 $0x80, v3;
	[tilespmem:s18+$0x600] =	vst v2  }
0x62: {  	v2 =	vor.u32 $0x100, v0;
	[tilespmem:s18+$0x2600] =	vst v1  }
0x63: {  	v1 =	vor.u32 $0x100, v3;
	[tilespmem:s18+$0x800] =	vst v2  }
0x64: {  	v2 =	vor.u32 $0x180, v0;
	[tilespmem:s18+$0x2800] =	vst v1  }
0x65: {  	v1 =	vor.u32 $0x180, v3;
	[tilespmem:s18+$0xA00] =	vst v2  }
0x66: {  	v2 =	vor.u32 $0x200, v0;
	[tilespmem:s18+$0x2A00] =	vst v1  }
0x67: {  	v1 =	vor.u32 $0x200, v3;
	[tilespmem:s18+$0xC00] =	vst v2  }
0x68: {  	v2 =	vor.u32 $0x280, v0;
	[tilespmem:s18+$0x2C00] =	vst v1  }
0x69: {  	v1 =	vor.u32 $0x280, v3;
	[tilespmem:s18+$0xE00] =	vst v2  }
0x6a: {  	v2 =	vor.u32 $0x300, v0;
	[tilespmem:s18+$0x2E00] =	vst v1  }
0x6b: {  	v1 =	vor.u32 $0x300, v3;
	[tilespmem:s18+$0x1000] =	vst v2  }
0x6c: {  	v2 =	vor.u32 $0x380, v0;
	[tilespmem:s18+$0x3000] =	vst v1  }
0x6d: {  	v1 =	vor.u32 $0x380, v3;
	[tilespmem:s18+$0x1200] =	vst v2  }
0x6e: {  	v2 =	vadd.s32 $0x7A1400, v0;
	[tilespmem:s18+$0x3200] =	vst v1  }
0x6f: {  	v1 =	vadd.s32 $0xC3800, v3;
	[tilespmem:s18+$0x1400] =	vst v2  }
0x70: {  	v2 =	vadd.s32 $0x7A1480, v0;
	[tilespmem:s18+$0x3400] =	vst v1  }
0x71: {  	v1 =	vadd.s32 $0xC3880, v3;
	[tilespmem:s18+$0x1600] =	vst v2  }
0x72: {  	v2 =	vadd.s32 $0x7A1500, v0;
	[tilespmem:s18+$0x3600] =	vst v1  }
0x73: {  	v1 =	vadd.s32 $0xC3900, v3;
	[tilespmem:s18+$0x1800] =	vst v2  }
0x74: {  	v2 =	vadd.s32 $0x7A1580, v0;
	[tilespmem:s18+$0x3800] =	vst v1  }
0x75: {  	v1 =	vadd.s32 $0xC3980, v3;
	[tilespmem:s18+$0x1A00] =	vst v2  }
0x76: {  	v2 =	vadd.s32 $0x7A1600, v0;
	[tilespmem:s18+$0x3A00] =	vst v1  }
0x77: {  	v1 =	vadd.s32 $0xC3A00, v3;
	[tilespmem:s18+$0x1C00] =	vst v2  }
0x78: {  	v2 =	vadd.s32 $0x7A1680, v0;
	[tilespmem:s18+$0x3C00] =	vst v1  }
0x79: {  	v1 =	vadd.s32 $0xC3A80, v3;
	[tilespmem:s18+$0x1E00] =	vst v2  }
0x7a: {  	v2 =	vadd.s32 $0x7A1700, v0;
	[tilespmem:s18+$0x3E00] =	vst v1  }
0x7b: {  	v1 =	vadd.s32 $0xC3B00, v3;
	[tilespmem:s18+$0x2000] =	vst v2  }
0x7c: {  	v2 =	vadd.s32 $0x7A1780, v0;
	[tilespmem:s18+$0x4000] =	vst v1  }
0x7d: {  	[tilespmem:s18+$0x2200] =	vst v2;
	s18 =	simm.s32 $0x8400  }
0x7e: {  	[tilespmem:s18], [sflag:$0x1] =	stream.indirect.gather [hbm4b:s5+s11], $0x1, s11, s11, $0xb8;
	[tilespmem:$0x8800] =	vst v63  }
0x7f: {  	s19 =	simm.s32 $0x400;
	s20 =	simm.s32 $0x4400  }
0x80: {  	[tilespmem:s20], [sflag:$0x1] =	stream.indirect.gather [hbm4b:s3+s11], $0x1, s19, s11, $0xb8;
	[tilespmem:$0x8800] =	vst v63  }
0x81: {  	s19 =	simm.s32 $0x2400;
	s20 =	simm.s32 $0x6400  }
0x82: {  	[tilespmem:s20], [sflag:$0x1] =	stream.indirect.gather [hbm4b:s4+s11], $0x1, s19, s11, $0xb8;
	[tilespmem:$0x8800] =	vst v63  }
0x83: {  	s19 =	simm.s32 $0x600;
	s20 =	simm.s32 $0x4600  }
0x84: {  	[tilespmem:s20], [sflag:$0x1] =	stream.indirect.gather [hbm4b:s3+s11], $0x1, s19, s11, $0xb8;
	[tilespmem:$0x8800] =	vst v63  }
0x85: {  	s19 =	simm.s32 $0x2600;
	s20 =	simm.s32 $0x6600  }
0x86: {  	[tilespmem:s20], [sflag:$0x1] =	stream.indirect.gather [hbm4b:s4+s11], $0x1, s19, s11, $0xb8;
	[tilespmem:$0x8800] =	vst v63  }
0x87: {  	s19 =	simm.s32 $0x800;
	s20 =	simm.s32 $0x4800  }
0x88: {  	[tilespmem:s20], [sflag:$0x1] =	stream.indirect.gather [hbm4b:s3+s11], $0x1, s19, s11, $0xb8;
	[tilespmem:$0x8800] =	vst v63  }
0x89: {  	s19 =	simm.s32 $0x2800;
	s20 =	simm.s32 $0x6800  }
0x8a: {  	[tilespmem:s20], [sflag:$0x1] =	stream.indirect.gather [hbm4b:s4+s11], $0x1, s19, s11, $0xb8;
	[tilespmem:$0x8800] =	vst v63  }
0x8b: {  	s19 =	simm.s32 $0xA00;
	s20 =	simm.s32 $0x4A00  }
0x8c: {  	[tilespmem:s20], [sflag:$0x1] =	stream.indirect.gather [hbm4b:s3+s11], $0x1, s19, s11, $0xb8;
	[tilespmem:$0x8800] =	vst v63  }
0x8d: {  	s19 =	simm.s32 $0x2A00;
	s20 =	simm.s32 $0x6A00  }
0x8e: {  	[tilespmem:s20], [sflag:$0x1] =	stream.indirect.gather [hbm4b:s4+s11], $0x1, s19, s11, $0xb8;
	[tilespmem:$0x8800] =	vst v63  }
0x8f: {  	s19 =	simm.s32 $0xC00;
	s20 =	simm.s32 $0x4C00  }
0x90: {  	[tilespmem:s20], [sflag:$0x1] =	stream.indirect.gather [hbm4b:s3+s11], $0x1, s19, s11, $0xb8;
	[tilespmem:$0x8800] =	vst v63  }
0x91: {  	s19 =	simm.s32 $0x2C00;
	s20 =	simm.s32 $0x6C00  }
0x92: {  	[tilespmem:s20], [sflag:$0x1] =	stream.indirect.gather [hbm4b:s4+s11], $0x1, s19, s11, $0xb8;
	[tilespmem:$0x8800] =	vst v63  }
0x93: {  	s19 =	simm.s32 $0xE00;
	s20 =	simm.s32 $0x4E00  }
0x94: {  	[tilespmem:s20], [sflag:$0x1] =	stream.indirect.gather [hbm4b:s3+s11], $0x1, s19, s11, $0xb8;
	[tilespmem:$0x8800] =	vst v63  }
0x95: {  	s19 =	simm.s32 $0x2E00;
	s20 =	simm.s32 $0x6E00  }
0x96: {  	[tilespmem:s20], [sflag:$0x1] =	stream.indirect.gather [hbm4b:s4+s11], $0x1, s19, s11, $0xb8;
	[tilespmem:$0x8800] =	vst v63  }
0x97: {  	s19 =	simm.s32 $0x1000;
	s20 =	simm.s32 $0x5000  }
0x98: {  	[tilespmem:s20], [sflag:$0x1] =	stream.indirect.gather [hbm4b:s3+s11], $0x1, s19, s11, $0xb8;
	[tilespmem:$0x8800] =	vst v63  }
0x99: {  	s19 =	simm.s32 $0x3000;
	s20 =	simm.s32 $0x7000  }
0x9a: {  	[tilespmem:s20], [sflag:$0x1] =	stream.indirect.gather [hbm4b:s4+s11], $0x1, s19, s11, $0xb8;
	[tilespmem:$0x8800] =	vst v63  }
0x9b: {  	s19 =	simm.s32 $0x1200;
	s20 =	simm.s32 $0x5200  }
0x9c: {  	[tilespmem:s20], [sflag:$0x1] =	stream.indirect.gather [hbm4b:s3+s11], $0x1, s19, s11, $0xb8;
	[tilespmem:$0x8800] =	vst v63  }
0x9d: {  	s19 =	simm.s32 $0x3200;
	s20 =	simm.s32 $0x7200  }
0x9e: {  	[tilespmem:s20], [sflag:$0x1] =	stream.indirect.gather [hbm4b:s4+s11], $0x1, s19, s11, $0xb8;
	[tilespmem:$0x8800] =	vst v63  }
0x9f: {  	s19 =	simm.s32 $0x1400;
	s20 =	simm.s32 $0x5400  }
0xa0: {  	[tilespmem:s20], [sflag:$0x1] =	stream.indirect.gather [hbm4b:s3+s11], $0x1, s19, s11, $0xb8;
	[tilespmem:$0x8800] =	vst v63  }
0xa1: {  	s19 =	simm.s32 $0x3400;
	s20 =	simm.s32 $0x7400  }
0xa2: {  	[tilespmem:s20], [sflag:$0x1] =	stream.indirect.gather [hbm4b:s4+s11], $0x1, s19, s11, $0xb8;
	[tilespmem:$0x8800] =	vst v63  }
0xa3: {  	s19 =	simm.s32 $0x1600;
	s20 =	simm.s32 $0x5600  }
0xa4: {  	[tilespmem:s20], [sflag:$0x1] =	stream.indirect.gather [hbm4b:s3+s11], $0x1, s19, s11, $0xb8;
	[tilespmem:$0x8800] =	vst v63  }
0xa5: {  	s19 =	simm.s32 $0x3600;
	s20 =	simm.s32 $0x7600  }
0xa6: {  	[tilespmem:s20], [sflag:$0x1] =	stream.indirect.gather [hbm4b:s4+s11], $0x1, s19, s11, $0xb8;
	[tilespmem:$0x8800] =	vst v63  }
0xa7: {  	s19 =	simm.s32 $0x1800;
	s20 =	simm.s32 $0x5800  }
0xa8: {  	[tilespmem:s20], [sflag:$0x1] =	stream.indirect.gather [hbm4b:s3+s11], $0x1, s19, s11, $0xb8;
	[tilespmem:$0x8800] =	vst v63  }
0xa9: {  	s19 =	simm.s32 $0x3800;
	s20 =	simm.s32 $0x7800  }
0xaa: {  	[tilespmem:s20], [sflag:$0x1] =	stream.indirect.gather [hbm4b:s4+s11], $0x1, s19, s11, $0xb8;
	[tilespmem:$0x8800] =	vst v63  }
0xab: {  	s19 =	simm.s32 $0x1A00;
	s20 =	simm.s32 $0x5A00  }
0xac: {  	[tilespmem:s20], [sflag:$0x1] =	stream.indirect.gather [hbm4b:s3+s11], $0x1, s19, s11, $0xb8;
	[tilespmem:$0x8800] =	vst v63  }
0xad: {  	s19 =	simm.s32 $0x3A00;
	s20 =	simm.s32 $0x7A00  }
0xae: {  	[tilespmem:s20], [sflag:$0x1] =	stream.indirect.gather [hbm4b:s4+s11], $0x1, s19, s11, $0xb8;
	[tilespmem:$0x8800] =	vst v63  }
0xaf: {  	s19 =	simm.s32 $0x1C00;
	s20 =	simm.s32 $0x5C00  }
0xb0: {  	[tilespmem:s20], [sflag:$0x1] =	stream.indirect.gather [hbm4b:s3+s11], $0x1, s19, s11, $0xb8;
	[tilespmem:$0x8800] =	vst v63  }
0xb1: {  	_ = 	snop  }
0xb2: {  	[tilespmem:s22], [sflag:$0x1] =	stream.indirect.gather [hbm4b:s4+s11], $0x1, s21, s11, $0xb8;
	[tilespmem:$0x8800] =	vst v63  }
0xb3: {  	_ = 	snop  }
0xb4: {  	[tilespmem:s24], [sflag:$0x1] =	stream.indirect.gather [hbm4b:s3+s11], $0x1, s23, s11, $0xb8;
	[tilespmem:$0x8800] =	vst v63  }
0xb5: {  	_ = 	snop  }
0xb6: {  	[tilespmem:s26], [sflag:$0x1] =	stream.indirect.gather [hbm4b:s4+s11], $0x1, s25, s11, $0xb8;
	[tilespmem:$0x8800] =	vst v63  }
0xb7: {  	_ = 	snop  }
0xb8: {  	[tilespmem:s29], [sflag:$0x1] =	stream.indirect.gather [hbm4b:s3+s11], $0x1, s28, s11, $0xb8;
	[tilespmem:$0x8800] =	vst v63  }
0xb9: {  	_ = 	snop  }
0xba: {  	[tilespmem:s31], [sflag:$0x1] =	stream.indirect.gather [hbm4b:s4+s11], $0x1, s30, s11, $0xb8;
	[tilespmem:$0x8800] =	vst v63  }
0xbb: {  	_ = 	snop  }
0xbc: {  	[tilespmem:s2], [sflag:$0x1] =	stream.indirect.gather [hbm4b:s3+s11], $0x1, s0, s11, $0xb8;
	[tilespmem:$0x8800] =	vst v63  }
0xbd: {  	_ = 	snop  }
0xbe: {  	[tilespmem:s13], [sflag:$0x1] =	stream.indirect.gather [hbm4b:s4+s11], $0x1, s12, s11, $0xb8;
	[tilespmem:$0x8800] =	vst v63  }
0xbf: {  	_ =	swait.ge [sflag:s14], $0x200  }
0xc0: {  	[sflag:s14] =	ssyncset.done $0x0  }
0xc1: {  	[sflag:s14] =	ssyncadd.s32 $0xFFFFFE00  }
0xc2: {  	_ =	swait.ge [sflag:s14], $0x200  }
0xc3: {  	[sflag:s14] =	ssyncset.done $0x0  }
0xc4: {  	[sflag:s14] =	ssyncadd.s32 $0xFFFFFE00  }
0xc5: {  	_ =	swait.ge [sflag:s14], $0x200  }
0xc6: {  	[sflag:s14] =	ssyncset.done $0x0  }
0xc7: {  	[sflag:s14] =	ssyncadd.s32 $0xFFFFFE00  }
0xc8: {  	_ =	swait.ge [sflag:s14], $0x200  }
0xc9: {  	[sflag:s14] =	ssyncset.done $0x0  }
0xca: {  	[sflag:s14] =	ssyncadd.s32 $0xFFFFFE00  }
0xcb: {  	_ =	swait.ge [sflag:s14], $0x200  }
0xcc: {  	[sflag:s14] =	ssyncset.done $0x0  }
0xcd: {  	[sflag:s14] =	ssyncadd.s32 $0xFFFFFE00  }
0xce: {  	_ =	swait.ge [sflag:s14], $0x200  }
0xcf: {  	[sflag:s14] =	ssyncset.done $0x0  }
0xd0: {  	[sflag:s14] =	ssyncadd.s32 $0xFFFFFE00  }
0xd1: {  	_ =	swait.ge [sflag:s14], $0x200  }
0xd2: {  	[sflag:s14] =	ssyncset.done $0x0  }
0xd3: {  	[sflag:s14] =	ssyncadd.s32 $0xFFFFFE00  }
0xd4: {  	_ =	swait.ge [sflag:s14], $0x200  }
0xd5: {  	[sflag:s14] =	ssyncset.done $0x0  }
0xd6: {  	[sflag:s14] =	ssyncadd.s32 $0xFFFFFE00  }
0xd7: {  	_ =	swait.ge [sflag:s14], $0x200  }
0xd8: {  	[sflag:s14] =	ssyncset.done $0x0  }
0xd9: {  	[sflag:s14] =	ssyncadd.s32 $0xFFFFFE00  }
0xda: {  	_ =	swait.ge [sflag:s14], $0x200  }
0xdb: {  	[sflag:s14] =	ssyncset.done $0x0  }
0xdc: {  	[sflag:s14] =	ssyncadd.s32 $0xFFFFFE00  }
0xdd: {  	_ =	swait.ge [sflag:s14], $0x200  }
0xde: {  	[sflag:s14] =	ssyncset.done $0x0  }
0xdf: {  	[sflag:s14] =	ssyncadd.s32 $0xFFFFFE00  }
0xe0: {  	_ =	swait.ge [sflag:s14], $0x200  }
0xe1: {  	[sflag:s14] =	ssyncset.done $0x0  }
0xe2: {  	[sflag:s14] =	ssyncadd.s32 $0xFFFFFE00  }
0xe3: {  	_ =	swait.ge [sflag:s14], $0x200  }
0xe4: {  	[sflag:s14] =	ssyncset.done $0x0  }
0xe5: {  	[sflag:s14] =	ssyncadd.s32 $0xFFFFFE00  }
0xe6: {  	_ =	swait.ge [sflag:s14], $0x200  }
0xe7: {  	[sflag:s14] =	ssyncset.done $0x0  }
0xe8: {  	[sflag:s14] =	ssyncadd.s32 $0xFFFFFE00  }
0xe9: {  	_ =	swait.ge [sflag:s14], $0x200  }
0xea: {  	[sflag:s14] =	ssyncset.done $0x0  }
0xeb: {  	[sflag:s14] =	ssyncadd.s32 $0xFFFFFE00  }
0xec: {  	_ =	swait.ge [sflag:s14], $0x200  }
0xed: {  	[sflag:s14] =	ssyncset.done $0x0  }
0xee: {  	[sflag:s14] =	ssyncadd.s32 $0xFFFFFE00  }
0xef: {  	_ =	swait.ge [sflag:s14], $0x200  }
0xf0: {  	[sflag:s14] =	ssyncset.done $0x0  }
0xf1: {  	[sflag:s14] =	ssyncadd.s32 $0xFFFFFE00  }
0xf2: {  	_ =	swait.ge [sflag:s14], $0x200  }
0xf3: {  	[sflag:s14] =	ssyncset.done $0x0  }
0xf4: {  	[sflag:s14] =	ssyncadd.s32 $0xFFFFFE00  }
0xf5: {  	_ =	swait.ge [sflag:s14], $0x200  }
0xf6: {  	[sflag:s14] =	ssyncset.done $0x0  }
0xf7: {  	[sflag:s14] =	ssyncadd.s32 $0xFFFFFE00  }
0xf8: {  	_ =	swait.ge [sflag:s14], $0x200  }
0xf9: {  	[sflag:s14] =	ssyncset.done $0x0  }
0xfa: {  	[sflag:s14] =	ssyncadd.s32 $0xFFFFFE00  }
0xfb: {  	_ =	swait.ge [sflag:s14], $0x200  }
0xfc: {  	[sflag:s14] =	ssyncset.done $0x0  }
0xfd: {  	[sflag:s14] =	ssyncadd.s32 $0xFFFFFE00  }
0xfe: {  	_ =	swait.ge [sflag:s14], $0x200  }
0xff: {  	[sflag:s14] =	ssyncset.done $0x0  }
0x100: {  	[sflag:s14] =	ssyncadd.s32 $0xFFFFFE00  }
0x101: {  	_ =	swait.ge [sflag:s14], $0x200  }
0x102: {  	[sflag:s14] =	ssyncset.done $0x0  }
0x103: {  	[sflag:s14] =	ssyncadd.s32 $0xFFFFFE00  }
0x104: {  	_ =	swait.ge [sflag:s14], $0x200  }
0x105: {  	[sflag:s14] =	ssyncset.done $0x0  }
0x106: {  	[sflag:s14] =	ssyncadd.s32 $0xFFFFFE00  }
0x107: {  	_ =	swait.ge [sflag:s14], $0x200  }
0x108: {  	[sflag:s14] =	ssyncset.done $0x0  }
0x109: {  	[sflag:s14] =	ssyncadd.s32 $0xFFFFFE00  }
0x10a: {  	_ =	swait.ge [sflag:s14], $0x200  }
0x10b: {  	[sflag:s14] =	ssyncset.done $0x0  }
0x10c: {  	[sflag:s14] =	ssyncadd.s32 $0xFFFFFE00  }
0x10d: {  	_ =	swait.ge [sflag:s14], $0x200  }
0x10e: {  	[sflag:s14] =	ssyncset.done $0x0  }
0x10f: {  	[sflag:s14] =	ssyncadd.s32 $0xFFFFFE00  }
0x110: {  	_ =	swait.ge [sflag:s14], $0x200  }
0x111: {  	[sflag:s14] =	ssyncset.done $0x0  }
0x112: {  	[sflag:s14] =	ssyncadd.s32 $0xFFFFFE00  }
0x113: {  	_ =	swait.ge [sflag:s14], $0x200  }
0x114: {  	[sflag:s14] =	ssyncset.done $0x0  }
0x115: {  	[sflag:s14] =	ssyncadd.s32 $0xFFFFFE00  }
0x116: {  	_ =	swait.ge [sflag:s14], $0x200  }
0x117: {  	[sflag:s14] =	ssyncset.done $0x0  }
0x118: {  	[sflag:s14] =	ssyncadd.s32 $0xFFFFFE00  }
0x119: {  	_ =	swait.ge [sflag:s14], $0x200  }
0x11a: {  	[sflag:s14] =	ssyncset.done $0x0  }
0x11b: {  	[sflag:s14] =	ssyncadd.s32 $0xFFFFFE00  }
0x11c: {  	_ =	swait.ge [sflag:s14], $0x200  }
0x11d: {  	[sflag:s14] =	ssyncset.done $0x0  }
0x11e: {  	[sflag:s14] =	ssyncadd.s32 $0xFFFFFE00  }
0x11f: {  	_ =	swait.ge [sflag:s14], $0x200  }
0x120: {  	[sflag:s14] =	ssyncset.done $0x0  }
0x121: {  	s17 =	simm.s32 $0x0;
	[sflag:s14] =	ssyncadd.s32 $0xFFFFFE00  }
0x122: {  	v0 =	vld [tilespmem:s17+$0x4400]  }
0x123: {  	v1 =	vld [tilespmem:s17+$0x6400]  }
0x124: {  	v2 =	vld [tilespmem:s17+$0x4600]  }
0x125: {  	v3 =	vld [tilespmem:s17+$0x6600]  }
0x126: {  	v4 =	vld [tilespmem:s17+$0x4800]  }
0x127: {  	v5 =	vld [tilespmem:s17+$0x6800]  }
0x128: {  	v6 =	vld [tilespmem:s17+$0x4A00];
	v0 =	vmul.f32 v1, v0  }
0x129: {  	v1 =	vld [tilespmem:s17+$0x6A00]  }
0x12a: {  	v7 =	vld [tilespmem:s17+$0x4C00];
	v2 =	vmul.f32 v3, v2;
	v0 =	vadd.f32 $0.0e+00, v0  }
0x12b: {  	v3 =	vld [tilespmem:s17+$0x6C00]  }
0x12c: {  	v8 =	vld [tilespmem:s17+$0x4E00];
	v0 =	vadd.f32 v2, v0;
	v2 =	vmul.f32 v5, v4  }
0x12d: {  	v4 =	vld [tilespmem:s17+$0x6E00]  }
0x12e: {  	v5 =	vld [tilespmem:s17+$0x5000];
	v1 =	vmul.f32 v1, v6;
	v0 =	vadd.f32 v2, v0  }
0x12f: {  	v2 =	vld [tilespmem:s17+$0x7000]  }
0x130: {  	v6 =	vld [tilespmem:s17+$0x5200];
	v0 =	vadd.f32 v1, v0;
	v1 =	vmul.f32 v3, v7  }
0x131: {  	v3 =	vld [tilespmem:s17+$0x7200]  }
0x132: {  	v7 =	vld [tilespmem:s17+$0x5400];
	v0 =	vadd.f32 v1, v0;
	v1 =	vmul.f32 v4, v8  }
0x133: {  	v4 =	vld [tilespmem:s17+$0x7400]  }
0x134: {  	v8 =	vld [tilespmem:s17+$0x5600];
	v0 =	vadd.f32 v1, v0;
	v1 =	vmul.f32 v2, v5  }
0x135: {  	v2 =	vld [tilespmem:s17+$0x7600]  }
0x136: {  	v5 =	vld [tilespmem:s17+$0x5800];
	v0 =	vadd.f32 v1, v0;
	v1 =	vmul.f32 v3, v6  }
0x137: {  	v3 =	vld [tilespmem:s17+$0x7800]  }
0x138: {  	v6 =	vld [tilespmem:s17+$0x5A00];
	v0 =	vadd.f32 v1, v0;
	v1 =	vmul.f32 v4, v7  }
0x139: {  	v4 =	vld [tilespmem:s17+$0x7A00]  }
0x13a: {  	v7 =	vld [tilespmem:s17+$0x5C00];
	v0 =	vadd.f32 v1, v0;
	v1 =	vmul.f32 v2, v8  }
0x13b: {  	v8 =	vld [tilespmem:s17+$0x7C00]  }
0x13c: {  	v9 =	vld [tilespmem:s17+$0x5E00];
	v0 =	vadd.f32 v1, v0;
	v1 =	vmul.f32 v3, v5  }
0x13d: {  	v10 =	vld [tilespmem:s17+$0x7E00]  }
0x13e: {  	v2 =	vld [tilespmem:s17+$0x6000];
	v3 =	vmul.f32 v4, v6;
	v0 =	vadd.f32 v1, v0  }
0x13f: {  	v4 =	vld [tilespmem:s17+$0x8000]  }
0x140: {  	v1 =	vld [tilespmem:s17+$0x6200];
	v6 =	vmul.f32 v8, v7;
	v5 =	vadd.f32 v3, v0  }
0x141: {  	s18 =	simm.s32 $0x10;
	v3 =	vld [tilespmem:s17+$0x8200]  }
0x142: {  	v7 =	vld [tilespmem:s18+$0x4400];
	v5 =	vadd.f32 v6, v5;
	v6 =	vmul.f32 v10, v9  }
0x143: {  	s19 =	simm.s32 $0x80;
	v0 =	vld [tilespmem:s17+$0x8400]  }
.LBB2_4:
0x144: {  	p0 =	sne.s32 s19, $0x7C0;
	v8 =	vld [tilespmem:s18+$0x6400];
	v5 =	vadd.f32 v6, v5;
	v2 =	vmul.f32 v4, v2  }
0x145: {  	v4 =	vld [tilespmem:s18+$0x4600]  }
0x146: {  	v6 =	vld [tilespmem:s18+$0x6600];
	v2 =	vadd.f32 v2, v5;
	v1 =	vmul.f32 v3, v1  }
0x147: {  	v3 =	vld [tilespmem:s18+$0x4800]  }
0x148: {  	v5 =	vld [tilespmem:s18+$0x6800];
	v1 =	vadd.f32 v1, v2  }
0x149: {  	v2 =	vmul.f32 v8, v7;
	v7 =	vld [tilespmem:s18+$0x4A00]  }
0x14a: {  	v8 =	vld [tilespmem:s18+$0x6A00];
	v0 =	vsub.f32 v0, v1  }
0x14b: {  	v1 =	vadd.f32 $0.0e+00, v2;
	v2 =	vmul.f32 v6, v4;
	v4 =	vld [tilespmem:s18+$0x4C00]  }
0x14c: {  	v6 =	vld [tilespmem:s18+$0x6C00];
	v0 =	vmul.f32 $1.442695020e+00, v0  }
0x14d: {  	v1 =	vadd.f32 v2, v1;
	v2 =	vmul.f32 v5, v3;
	v3 =	vld [tilespmem:s18+$0x4E00]  }
0x14e: {  	v5 =	vld [tilespmem:s18+$0x6E00];
	(erf) = vpow2.f32 v0  }
0x14f: {  	v0 =	vadd.f32 v2, v1;
	v1 =	vmul.f32 v8, v7;
	v2 =	vld [tilespmem:s18+$0x5000]  }
0x150: {  	v7 =	vld [tilespmem:s18+$0x7000]  }
0x151: {  	v0 =	vadd.f32 v1, v0;
	v1 =	vmul.f32 v6, v4;
	v4 =	vld [tilespmem:s18+$0x5200]  }
0x152: {  	v6 =	vld [tilespmem:s18+$0x7200]  }
0x153: {  	v0 =	vadd.f32 v1, v0;
	v1 =	vmul.f32 v5, v3;
	v3 =	vld [tilespmem:s18+$0x5400]  }
0x154: {  	v5 =	vld [tilespmem:s18+$0x7400]  }
0x155: {  	v0 =	vadd.f32 v1, v0;
	v1 =	vmul.f32 v7, v2;
	v2 =	vld [tilespmem:s18+$0x5600]  }
0x156: {  	v7 =	vld [tilespmem:s18+$0x7600]  }
0x157: {  	v0 =	vadd.f32 v1, v0;
	v1 =	vmul.f32 v6, v4;
	v4 =	vld [tilespmem:s18+$0x5800];
	v6 =	vpop (erf)  }
0x158: {  	v8 =	vld [tilespmem:s18+$0x7800];
	v6 =	vadd.f32 $1.000000000e+00, v6  }
0x159: {  	v0 =	vadd.f32 v1, v0;
	v1 =	vmul.f32 v5, v3;
	v3 =	vld [tilespmem:s18+$0x5A00]  }
0x15a: {  	v5 =	vld [tilespmem:s18+$0x7A00];
	(erf) = vrcp.f32 v6  }
0x15b: {  	v0 =	vadd.f32 v1, v0;
	v1 =	vmul.f32 v7, v2;
	v6 =	vld [tilespmem:s18+$0x5C00]  }
0x15c: {  	v7 =	vld [tilespmem:s18+$0x7C00]  }
0x15d: {  	v0 =	vadd.f32 v1, v0;
	v1 =	vmul.f32 v8, v4;
	v8 =	vld [tilespmem:s18+$0x5E00]  }
0x15e: {  	v9 =	vld [tilespmem:s18+$0x7E00]  }
0x15f: {  	v0 =	vadd.f32 v1, v0;
	v1 =	vmul.f32 v5, v3;
	v2 =	vld [tilespmem:s18+$0x6000]  }
.Ltmp1:
0x160: {  	v4 =	vld [tilespmem:s18+$0x8000];
	(pc) =	sbr.rel @p0 .LBB2_4-.Ltmp1, $4  }
0x161: {  	v0 =	vadd.f32 v1, v0;
	v5 =	vmul.f32 v7, v6;
	v1 =	vld [tilespmem:s18+$0x6200]  }
0x162: {  	v3 =	vld [tilespmem:s18+$0x8200]  }
0x163: {  	s20 =	sshra.s32 s19, $0x2;
	v5 =	vadd.f32 v5, v0;
	v6 =	vmul.f32 v9, v8;
	v0 =	vld [tilespmem:s18+$0x8400];
	v8 =	vpop (erf)  }
0x164: {  	s19 =	sadd.s32 $0x40, s19;
	v7 =	vld [tilespmem:s20+$0x4400];
	[tilespmem:s17+$0x8600] =	vst v8;
	s17 =	smov.u32 s18;
	s18 =	smov.u32 s20  }
0x165: {  	v8 =	vld [tilespmem:s18+$0x6400]  }
0x166: {  	v9 =	vld [tilespmem:s18+$0x4600]  }
0x167: {  	v10 =	vld [tilespmem:s18+$0x6600]  }
0x168: {  	v11 =	vld [tilespmem:s18+$0x4800]  }
0x169: {  	v12 =	vld [tilespmem:s18+$0x6800]  }
0x16a: {  	v25 =	vld [tilespmem:s18+$0x4A00];
	v7 =	vmul.f32 v8, v7  }
0x16b: {  	v13 =	vld [tilespmem:s18+$0x6A00]  }
0x16c: {  	v26 =	vld [tilespmem:s18+$0x4C00];
	v9 =	vmul.f32 v10, v9;
	v7 =	vadd.f32 $0.0e+00, v7  }
0x16d: {  	v14 =	vld [tilespmem:s18+$0x6C00]  }
0x16e: {  	v28 =	vld [tilespmem:s18+$0x4E00];
	v27 =	vmul.f32 v12, v11;
	v7 =	vadd.f32 v9, v7  }
0x16f: {  	v29 =	vld [tilespmem:s18+$0x6E00]  }
0x170: {  	v30 =	vld [tilespmem:s18+$0x5000];
	v8 =	vmul.f32 v13, v25;
	v7 =	vadd.f32 v27, v7  }
0x171: {  	v31 =	vld [tilespmem:s18+$0x7000]  }
0x172: {  	v33 =	vld [tilespmem:s18+$0x5200];
	v32 =	vmul.f32 v14, v26;
	v7 =	vadd.f32 v8, v7  }
0x173: {  	v34 =	vld [tilespmem:s18+$0x7200]  }
0x174: {  	v36 =	vld [tilespmem:s18+$0x5400];
	v35 =	vmul.f32 v29, v28;
	v7 =	vadd.f32 v32, v7  }
0x175: {  	v37 =	vld [tilespmem:s18+$0x7400]  }
0x176: {  	v39 =	vld [tilespmem:s18+$0x5600];
	v38 =	vmul.f32 v31, v30;
	v7 =	vadd.f32 v35, v7  }
0x177: {  	v40 =	vld [tilespmem:s18+$0x7600]  }
0x178: {  	v42 =	vld [tilespmem:s18+$0x5800];
	v41 =	vmul.f32 v34, v33;
	v7 =	vadd.f32 v38, v7  }
0x179: {  	v5 =	vadd.f32 v6, v5;
	v2 =	vmul.f32 v4, v2;
	v43 =	vld [tilespmem:s18+$0x7800]  }
0x17a: {  	v46 =	vld [tilespmem:s18+$0x5A00];
	v45 =	vmul.f32 v37, v36;
	v44 =	vadd.f32 v41, v7  }
0x17b: {  	v47 =	vld [tilespmem:s18+$0x7A00];
	v2 =	vadd.f32 v2, v5;
	v1 =	vmul.f32 v3, v1  }
0x17c: {  	v50 =	vld [tilespmem:s18+$0x5C00];
	v49 =	vmul.f32 v40, v39;
	v48 =	vadd.f32 v45, v44  }
0x17d: {  	v51 =	vld [tilespmem:s18+$0x7C00];
	v1 =	vadd.f32 v1, v2  }
0x17e: {  	v52 =	vld [tilespmem:s18+$0x5E00];
	v4 =	vmul.f32 v43, v42;
	v5 =	vadd.f32 v49, v48  }
0x17f: {  	v53 =	vld [tilespmem:s18+$0x7E00];
	v0 =	vsub.f32 v0, v1  }
0x180: {  	v54 =	vld [tilespmem:s18+$0x6000];
	v3 =	vmul.f32 v47, v46;
	v4 =	vadd.f32 v4, v5  }
0x181: {  	v55 =	vld [tilespmem:s18+$0x8000];
	v0 =	vmul.f32 $1.442695020e+00, v0  }
0x182: {  	v56 =	vld [tilespmem:s18+$0x6200];
	v2 =	vmul.f32 v51, v50;
	v3 =	vadd.f32 v3, v4  }
0x183: {  	v57 =	vld [tilespmem:s18+$0x8200];
	(erf) = vpow2.f32 v0  }
0x184: {  	v1 =	vmul.f32 v53, v52;
	v2 =	vadd.f32 v2, v3;
	_ =	sdelay $0x1  }
0x185: {  	v58 =	vmul.f32 v55, v54;
	v1 =	vadd.f32 v1, v2  }
0x186: {  	v59 =	vld [tilespmem:s18+$0x8400]  }
0x187: {  	v0 =	vmul.f32 v57, v56;
	v1 =	vadd.f32 v58, v1;
	_ =	sdelay $0x1  }
0x188: {  	v0 =	vadd.f32 v0, v1;
	_ =	sdelay $0x1  }
0x189: {  	v60 =	vpop (erf);
	v0 =	vsub.f32 v59, v0  }
0x18a: {  	v1 =	vadd.f32 $1.000000000e+00, v60  }
0x18b: {  	v0 =	vmul.f32 $1.442695020e+00, v0  }
0x18c: {  	(erf) = vrcp.f32 v1  }
0x18d: {  	(erf) = vpow2.f32 v0;
	_ =	sdelay $0x7  }
0x18e: {  	v61 =	vpop (erf)  }
0x18f: {  	v62 =	vpop (erf)  }
0x190: {  	v1 =	vadd.f32 $1.000000000e+00, v62;
	_ =	sdelay $0x1  }
0x191: {  	(erf) = vrcp.f32 v1;
	_ =	sdelay $0x7  }
0x192: {  	s16 =	sadd.s32 $0x1, s16  }
0x193: {  	p0 =	sne.s32 s16, s9;
	[tilespmem:s17+$0x8600] =	vst v61;
	v63 =	vpop (erf)  }
.Ltmp2:
0x194: {  	[tilespmem:s18+$0x8600] =	vst v63;
	(pc) =	sbr.rel @p0 .LBB2_1-.Ltmp2, $4  }
0x195: {  	[hbm4b:s8+s1] =	stream.linear.scatter [tilespmem:s15], [sflag:$0x2], $0x200, $0x38;
	[tilespmem:$0x8800] =	vst v63  }
0x196: {  	_ =	swait.ge [sflag:s10], $0x200  }
0x197: {  	[sflag:s10] =	ssyncset.done $0x0  }
0x198: {  	[sflag:s10] =	ssyncadd.s32 $0xFFFFFE00  }
0x199: {  	_ =	sfence.sel $0x180000  }
0x19a: {  	[bflag:$0x0] =	sbarrier.arrive $0xFFFF  }
0x19b: {  	_ =	strace $0x90000047  }
0x19c: {  	s0 =	stileid.u32;
	[bflag:$0x2] =	sbarrier.arrive $0xFFFF  }
0x19d: {  	p0 =	sne.s32 s0, $0x0;
	s0 =	rddreg [dreg:$0x4]  }
0x19e: {  	s0 =	sadd.s32 @!p0 $0x100000, s0  }
0x19f: {  	[sflag:s0] =	ssyncadd.tile.s32 @!p0 $0x1;
	_ =	shalt  }
.Lfunc_end2:
_tile_overlayer_lowered:
.L_overlay_start_2:
0x1a0: {  	(tag) =	ssettag $0x2  }
0x1a1: {  	s0 =	rddreg [dreg:$0x0];
	s2 =	stileid.u32  }
0x1a2: {  	s1 =	rddreg [dreg:$0x1];
	p0 =	sne.s32 s2, $0x0  }
0x1a3: {  	s3 =	rddreg [dreg:$0x2];
	[bflag:$0x3] =	sbarrier.arrive $0xFFFF;
	s2 =	simm.s32 @!p0 $0x1C02  }
0x1a4: {  	[timem:s3], [sflag:s2] =	dma.local @!p0 [hbm:s0], s1  }
0x1a5: {  	s0 =	simm.s32 @!p0 $0x2  }
0x1a6: {  	_ =	swait.ge @!p0 [sflag:s0], s1  }
0x1a7: {  	s1 =	ssub.s32 @!p0 $0x0, s1;
	[sflag:s0] =	ssyncset.done @!p0 $0x0  }
0x1a8: {  	[sflag:s0] =	ssyncadd.s32 @!p0 s1  }
0x1a9: {  	[bflag:$0x3] =	sbarrier.arrive $0xFFFF  }
0x1aa: {  	_ =	shalt  }

</sc_bundles>
